<compile_context>
chip_gen: v7x
topology: tpu7x:2x2x1
jax: 0.10.2.dev20260603
libtpu: 0.0.44.dev20260713+nightly
codegen_flags: <defaults>
</compile_context>

<pallas_src>
import functools

import jax
import jax.numpy as jnp
from jax import lax
from jax.experimental import pallas as pl
from jax.experimental.pallas import tpu as pltpu
from jax.experimental.pallas import tpu_sc as plsc

_NC = 2
_NS = 16
_L = 16


@functools.lru_cache(maxsize=None)
def _make_sc_kernel(B, T, D):
    R = T + 1
    RP = R + 7
    NW = _NC * _NS
    bw = B // NW

    mesh = plsc.VectorSubcoreMesh(core_axis_name="c", subcore_axis_name="s")

    @functools.partial(
        pl.kernel,
        mesh=mesh,
        out_type=jax.ShapeDtypeStruct((B, R, D), jnp.float32),
        scratch_types=[
            pltpu.VMEM((RP,), jnp.int32),
            pltpu.VMEM((RP,), jnp.float32),
            pltpu.VMEM((RP, D), jnp.float32),
            pltpu.VMEM((RP, D), jnp.float32),
            pltpu.SemaphoreType.DMA,
        ],
        compiler_params=pltpu.CompilerParams(use_tc_tiling_on_sc=False),
    )
    def k(emb_hbm, idx_hbm, rat_hbm, pos_hbm, out_hbm,
          idx_v, rat_v, pos_v, rows_v, sem):
        wid = lax.axis_index("s") * _NC + lax.axis_index("c")
        pltpu.sync_copy(pos_hbm, pos_v)

        def batch_body(i, carry):
            b = wid * bw + i
            pltpu.sync_copy(idx_hbm.at[b], idx_v)
            pltpu.sync_copy(rat_hbm.at[b], rat_v)
            cp0 = pltpu.async_copy(
                emb_hbm.at[idx_v.at[pl.ds(0, 104)]],
                rows_v.at[pl.ds(0, 104)], sem)
            cp1 = pltpu.async_copy(
                emb_hbm.at[idx_v.at[pl.ds(104, R - 104)]],
                rows_v.at[pl.ds(104, R - 104)], sem)
            cp0.wait()
            cp1.wait()

            def chunk_body(tc, carry2):
                base = tc * _L
                rv = rat_v[pl.ds(base, _L)]
                for j in range(_L):
                    r = rv[j]
                    t = base + j
                    for c in range(D // _L):
                        sl = pl.ds(c * _L, _L)
                        rows_v[t, sl] = (rows_v[t, sl] + pos_v[t, sl]) * r
                return carry2

            lax.fori_loop(0, RP // _L, chunk_body, 0)
            pltpu.sync_copy(rows_v.at[pl.ds(0, R)], out_hbm.at[b])
            return carry

        lax.fori_loop(0, bw, batch_body, 0)

    return k


def kernel(user_id, product_history, target_product_id,
           product_history_ratings, emb_weights, pos_weights):
    B, T = product_history_ratings.shape
    D = emb_weights.shape[1]
    pad = 7
    idx_full = jnp.concatenate([
        product_history.astype(jnp.int32),
        target_product_id.astype(jnp.int32).reshape(B, 1),
        jnp.zeros((B, pad), jnp.int32),
    ], axis=1)
    rat_full = jnp.concatenate([
        product_history_ratings,
        jnp.ones((B, 1), jnp.float32),
        jnp.zeros((B, pad), jnp.float32),
    ], axis=1)
    pos_pad = jnp.concatenate([
        pos_weights,
        jnp.zeros((1 + pad, D), jnp.float32),
    ], axis=0)
    return _make_sc_kernel(B, T, D)(emb_weights, idx_full, rat_full, pos_pad)

# --- scband reference (transcript-rebuilt; emitter-appended) ---
"""Pipeline reference for scband-meta-bertembedding-3272765079572 (READ-ONLY COPY).

The authoritative reference and input builder live on the scoring server;
editing this copy changes nothing except your own understanding.
"""

import jax, jax.numpy as jnp
import numpy as np

VOCAB = 1000000
EMBED = 64
B = 4096
T = 200

def setup_inputs(seed: int = 0) -> dict:
    key = jax.random.key(seed)
    k1, k2, k3, k4, k5, k6 = jax.random.split(key, 6)
    user_id = jax.random.randint(k1, (B, 1), 0, VOCAB, dtype=jnp.int64) if jax.config.jax_enable_x64 else jax.random.randint(k1, (B, 1), 0, VOCAB)
    product_history = jax.random.randint(k2, (B, T), 0, VOCAB)
    target_product_id = jax.random.randint(k3, (B, 1), 0, VOCAB)
    product_history_ratings = jax.random.uniform(k4, (B, T), dtype=jnp.float32)
    # xavier_uniform init for embedding table [VOCAB, EMBED]
    emb_bound = float(np.sqrt(6.0 / (VOCAB + EMBED)))
    emb_weights = jax.random.uniform(k5, (VOCAB, EMBED), minval=-emb_bound, maxval=emb_bound, dtype=jnp.float32)
    # xavier_uniform init for positional table [T, EMBED] (max_len == T)
    pos_bound = float(np.sqrt(6.0 / (T + EMBED)))
    pos_weights = jax.random.uniform(k6, (T, EMBED), minval=-pos_bound, maxval=pos_bound, dtype=jnp.float32)
    return {
        "user_id": user_id,
        "product_history": product_history,
        "target_product_id": target_product_id,
        "product_history_ratings": product_history_ratings,
        "emb_weights": emb_weights,
        "pos_weights": pos_weights,
    }

def reference(user_id, product_history, target_product_id, product_history_ratings, emb_weights, pos_weights):
    # token embedding gather + positional embedding broadcast (repeat over batch)
    x = jnp.take(emb_weights, product_history, axis=0) + pos_weights[None, :, :]
    Bq, Tq = product_history_ratings.shape
    # target product embedding gather
    target_info = jnp.take(emb_weights, target_product_id, axis=0).reshape(Bq, 1, -1)
    # scale history embeddings by ratings
    x = x * product_history_ratings[:, :, None]
    out = jnp.concatenate([x, target_info], axis=1)
    # dropout is identity in eval mode
    return out

if __name__ == "__main__":
    import jax
    _d = setup_inputs()
    print(jax.jit(kernel)(*tuple(_d.values())))

</pallas_src>

<mosaic_0001>
#map = affine_map<(d0, d1) -> (0, 0)>
#map1 = affine_map<(d0, d1) -> (0, 0, 0)>
module attributes {stable_mosaic.version = 14 : i64} {
  func.func @k(%arg0: i32, %arg1: i32, %arg2: memref<1000000x64xf32, #tpu.memory_space<hbm>>, %arg3: memref<4096x208xi32, #tpu.memory_space<hbm>>, %arg4: memref<4096x208xf32, #tpu.memory_space<hbm>>, %arg5: memref<208x64xf32, #tpu.memory_space<hbm>>, %arg6: memref<4096x201x64xf32, #tpu.memory_space<hbm>>, %arg7: memref<208xi32, #tpu.memory_space<vmem>>, %arg8: memref<208xf32, #tpu.memory_space<vmem>>, %arg9: memref<208x64xf32, #tpu.memory_space<vmem>>, %arg10: memref<208x64xf32, #tpu.memory_space<vmem>>, %arg11: memref<!tpu.dma_semaphore, #tpu.memory_space<semaphore_mem>>) attributes {dimension_semantics = [#tpu.dimension_semantics<core_parallel>, #tpu.dimension_semantics<subcore_parallel>], iteration_bounds = array<i64: 2, 16>, scalar_prefetch = 0 : i64, scratch_operands = 5 : i64, tpu.core_type = #tpu.core_type<sc_vector_subcore>, window_params = [{transform_indices = #map}, {transform_indices = #map}, {transform_indices = #map}, {transform_indices = #map}, {transform_indices = #map1}]} {
    %mul3A = arith.constant 2 : i32
    %mul3A_0 = arith.muli %arg1, %mul3A : i32
    %add3A = arith.addi %mul3A_0, %arg0 : i32
    "tpu.region"() ({
      %run_scoped3A = tpu.sem_alloc : memref<!tpu.dma_semaphore, #tpu.memory_space<semaphore_mem>>
      tpu.enqueue_dma source(%arg5 : memref<208x64xf32, #tpu.memory_space<hbm>>) target(%arg9 : memref<208x64xf32, #tpu.memory_space<vmem>>) target_semaphore(%run_scoped3A : memref<!tpu.dma_semaphore, #tpu.memory_space<semaphore_mem>>)
      tpu.wait_dma2 semaphore(%run_scoped3A : memref<!tpu.dma_semaphore, #tpu.memory_space<semaphore_mem>>) src(%arg5 : memref<208x64xf32, #tpu.memory_space<hbm>>) dst(%arg9 : memref<208x64xf32, #tpu.memory_space<vmem>>)
      tpu.yield
    }) : () -> ()
    %scan3A = arith.constant 0 : i32
    %scan3A_1 = arith.constant 0 : i32
    %scan3A_2 = arith.constant 128 : i32
    %scan3A_3 = arith.addi %scan3A_1, %scan3A_2 : i32
    %scan3A_4 = arith.constant 1 : i32
    scf.for %scan3A_6 = %scan3A_1 to %scan3A_3 step %scan3A_4  : i32 {
      %mul3A_7 = arith.constant 128 : i32
      %mul3A_8 = arith.muli %add3A, %mul3A_7 : i32
      %add3A_9 = arith.addi %mul3A_8, %scan3A_6 : i32
      "tpu.region"() ({
        %run_scoped3A = tpu.sem_alloc : memref<!tpu.dma_semaphore, #tpu.memory_space<semaphore_mem>>
        %dma_start3A_46 = arith.constant 0 : i32
        %dma_start3A_47 = tpu.memref_slice %arg3[%add3A_9, %dma_start3A_46] : memref<4096x208xi32, #tpu.memory_space<hbm>> -> memref<1x208xi32, #tpu.memory_space<hbm>>
        %dma_start3A_48 = tpu.memref_squeeze %dma_start3A_47 : memref<1x208xi32, #tpu.memory_space<hbm>> -> memref<208xi32, #tpu.memory_space<hbm>>
        %dma_start3A_49 = arith.constant 0 : i32
        %dma_start3A_50 = tpu.memref_slice %arg3[%add3A_9, %dma_start3A_49] : memref<4096x208xi32, #tpu.memory_space<hbm>> -> memref<1x208xi32, #tpu.memory_space<hbm>>
        %dma_start3A_51 = tpu.memref_squeeze %dma_start3A_50 : memref<1x208xi32, #tpu.memory_space<hbm>> -> memref<208xi32, #tpu.memory_space<hbm>>
        tpu.enqueue_dma source(%dma_start3A_51 : memref<208xi32, #tpu.memory_space<hbm>>) target(%arg7 : memref<208xi32, #tpu.memory_space<vmem>>) target_semaphore(%run_scoped3A : memref<!tpu.dma_semaphore, #tpu.memory_space<semaphore_mem>>)
        %dma_wait3A_52 = arith.constant 0 : i32
        %dma_wait3A_53 = tpu.memref_slice %arg3[%add3A_9, %dma_wait3A_52] : memref<4096x208xi32, #tpu.memory_space<hbm>> -> memref<1x208xi32, #tpu.memory_space<hbm>>
        %dma_wait3A_54 = tpu.memref_squeeze %dma_wait3A_53 : memref<1x208xi32, #tpu.memory_space<hbm>> -> memref<208xi32, #tpu.memory_space<hbm>>
        %dma_wait3A_55 = arith.constant 0 : i32
        %dma_wait3A_56 = tpu.memref_slice %arg3[%add3A_9, %dma_wait3A_55] : memref<4096x208xi32, #tpu.memory_space<hbm>> -> memref<1x208xi32, #tpu.memory_space<hbm>>
        %dma_wait3A_57 = tpu.memref_squeeze %dma_wait3A_56 : memref<1x208xi32, #tpu.memory_space<hbm>> -> memref<208xi32, #tpu.memory_space<hbm>>
        tpu.wait_dma2 semaphore(%run_scoped3A : memref<!tpu.dma_semaphore, #tpu.memory_space<semaphore_mem>>) src(%dma_wait3A_57 : memref<208xi32, #tpu.memory_space<hbm>>) dst(%arg7 : memref<208xi32, #tpu.memory_space<vmem>>)
        tpu.yield
      }) : () -> ()
      "tpu.region"() ({
        %run_scoped3A = tpu.sem_alloc : memref<!tpu.dma_semaphore, #tpu.memory_space<semaphore_mem>>
        %dma_start3A_46 = arith.constant 0 : i32
        %dma_start3A_47 = tpu.memref_slice %arg4[%add3A_9, %dma_start3A_46] : memref<4096x208xf32, #tpu.memory_space<hbm>> -> memref<1x208xf32, #tpu.memory_space<hbm>>
        %dma_start3A_48 = tpu.memref_squeeze %dma_start3A_47 : memref<1x208xf32, #tpu.memory_space<hbm>> -> memref<208xf32, #tpu.memory_space<hbm>>
        %dma_start3A_49 = arith.constant 0 : i32
        %dma_start3A_50 = tpu.memref_slice %arg4[%add3A_9, %dma_start3A_49] : memref<4096x208xf32, #tpu.memory_space<hbm>> -> memref<1x208xf32, #tpu.memory_space<hbm>>
        %dma_start3A_51 = tpu.memref_squeeze %dma_start3A_50 : memref<1x208xf32, #tpu.memory_space<hbm>> -> memref<208xf32, #tpu.memory_space<hbm>>
        tpu.enqueue_dma source(%dma_start3A_51 : memref<208xf32, #tpu.memory_space<hbm>>) target(%arg8 : memref<208xf32, #tpu.memory_space<vmem>>) target_semaphore(%run_scoped3A : memref<!tpu.dma_semaphore, #tpu.memory_space<semaphore_mem>>)
        %dma_wait3A_52 = arith.constant 0 : i32
        %dma_wait3A_53 = tpu.memref_slice %arg4[%add3A_9, %dma_wait3A_52] : memref<4096x208xf32, #tpu.memory_space<hbm>> -> memref<1x208xf32, #tpu.memory_space<hbm>>
        %dma_wait3A_54 = tpu.memref_squeeze %dma_wait3A_53 : memref<1x208xf32, #tpu.memory_space<hbm>> -> memref<208xf32, #tpu.memory_space<hbm>>
        %dma_wait3A_55 = arith.constant 0 : i32
        %dma_wait3A_56 = tpu.memref_slice %arg4[%add3A_9, %dma_wait3A_55] : memref<4096x208xf32, #tpu.memory_space<hbm>> -> memref<1x208xf32, #tpu.memory_space<hbm>>
        %dma_wait3A_57 = tpu.memref_squeeze %dma_wait3A_56 : memref<1x208xf32, #tpu.memory_space<hbm>> -> memref<208xf32, #tpu.memory_space<hbm>>
        tpu.wait_dma2 semaphore(%run_scoped3A : memref<!tpu.dma_semaphore, #tpu.memory_space<semaphore_mem>>) src(%dma_wait3A_57 : memref<208xf32, #tpu.memory_space<hbm>>) dst(%arg8 : memref<208xf32, #tpu.memory_space<vmem>>)
        tpu.yield
      }) : () -> ()
      %dma_start3A = arith.constant 0 : i32
      %dma_start3A_10 = arith.constant 0 : i32
      %dma_start3A_11 = tpu.memref_slice %arg10[%dma_start3A, %dma_start3A_10] : memref<208x64xf32, #tpu.memory_space<vmem>> -> memref<104x64xf32, #tpu.memory_space<vmem>>
      %dma_start3A_12 = arith.constant 0 : i32
      %dma_start3A_13 = tpu.memref_slice %arg7[%dma_start3A_12] : memref<208xi32, #tpu.memory_space<vmem>> -> memref<104xi32, #tpu.memory_space<vmem>>
      %dma_start3A_14 = arith.constant 0 : i32
      %dma_start3A_15 = arith.constant 0 : i32
      %dma_start3A_16 = tpu.memref_slice %arg2[%dma_start3A_14, %dma_start3A_15] : memref<1000000x64xf32, #tpu.memory_space<hbm>> -> memref<1000000x64xf32, #tpu.memory_space<hbm>>
      tpu.enqueue_indirect_dma source(%dma_start3A_16 : memref<1000000x64xf32, #tpu.memory_space<hbm>>) target(%dma_start3A_11 : memref<104x64xf32, #tpu.memory_space<vmem>>) offsets(%dma_start3A_13 : memref<104xi32, #tpu.memory_space<vmem>>) semaphore(%arg11 : memref<!tpu.dma_semaphore, #tpu.memory_space<semaphore_mem>>)
      %dma_start3A_17 = arith.constant 104 : i32
      %dma_start3A_18 = arith.constant 0 : i32
      %dma_start3A_19 = tpu.memref_slice %arg10[%dma_start3A_17, %dma_start3A_18] : memref<208x64xf32, #tpu.memory_space<vmem>> -> memref<97x64xf32, #tpu.memory_space<vmem>>
      %dma_start3A_20 = arith.constant 104 : i32
      %dma_start3A_21 = tpu.memref_slice %arg7[%dma_start3A_20] : memref<208xi32, #tpu.memory_space<vmem>> -> memref<97xi32, #tpu.memory_space<vmem>>
      %dma_start3A_22 = arith.constant 0 : i32
      %dma_start3A_23 = arith.constant 0 : i32
      %dma_start3A_24 = tpu.memref_slice %arg2[%dma_start3A_22, %dma_start3A_23] : memref<1000000x64xf32, #tpu.memory_space<hbm>> -> memref<1000000x64xf32, #tpu.memory_space<hbm>>
      tpu.enqueue_indirect_dma source(%dma_start3A_24 : memref<1000000x64xf32, #tpu.memory_space<hbm>>) target(%dma_start3A_19 : memref<97x64xf32, #tpu.memory_space<vmem>>) offsets(%dma_start3A_21 : memref<97xi32, #tpu.memory_space<vmem>>) semaphore(%arg11 : memref<!tpu.dma_semaphore, #tpu.memory_space<semaphore_mem>>)
      %dma_wait3A = arith.constant 0 : i32
      %dma_wait3A_25 = arith.constant 0 : i32
      %dma_wait3A_26 = tpu.memref_slice %arg10[%dma_wait3A, %dma_wait3A_25] : memref<208x64xf32, #tpu.memory_space<vmem>> -> memref<104x64xf32, #tpu.memory_space<vmem>>
      %dma_wait3A_27 = arith.constant 0 : i32
      %dma_wait3A_28 = tpu.memref_slice %arg7[%dma_wait3A_27] : memref<208xi32, #tpu.memory_space<vmem>> -> memref<104xi32, #tpu.memory_space<vmem>>
      %dma_wait3A_29 = arith.constant 0 : i32
      %dma_wait3A_30 = arith.constant 0 : i32
      %dma_wait3A_31 = tpu.memref_slice %arg2[%dma_wait3A_29, %dma_wait3A_30] : memref<1000000x64xf32, #tpu.memory_space<hbm>> -> memref<1000000x64xf32, #tpu.memory_space<hbm>>
      tpu.wait_indirect_dma semaphore(%arg11 : memref<!tpu.dma_semaphore, #tpu.memory_space<semaphore_mem>>) src(%dma_wait3A_31 : memref<1000000x64xf32, #tpu.memory_space<hbm>>) dst(%dma_wait3A_26 : memref<104x64xf32, #tpu.memory_space<vmem>>)
      %dma_wait3A_32 = arith.constant 104 : i32
      %dma_wait3A_33 = arith.constant 0 : i32
      %dma_wait3A_34 = tpu.memref_slice %arg10[%dma_wait3A_32, %dma_wait3A_33] : memref<208x64xf32, #tpu.memory_space<vmem>> -> memref<97x64xf32, #tpu.memory_space<vmem>>
      %dma_wait3A_35 = arith.constant 104 : i32
      %dma_wait3A_36 = tpu.memref_slice %arg7[%dma_wait3A_35] : memref<208xi32, #tpu.memory_space<vmem>> -> memref<97xi32, #tpu.memory_space<vmem>>
      %dma_wait3A_37 = arith.constant 0 : i32
      %dma_wait3A_38 = arith.constant 0 : i32
      %dma_wait3A_39 = tpu.memref_slice %arg2[%dma_wait3A_37, %dma_wait3A_38] : memref<1000000x64xf32, #tpu.memory_space<hbm>> -> memref<1000000x64xf32, #tpu.memory_space<hbm>>
      tpu.wait_indirect_dma semaphore(%arg11 : memref<!tpu.dma_semaphore, #tpu.memory_space<semaphore_mem>>) src(%dma_wait3A_39 : memref<1000000x64xf32, #tpu.memory_space<hbm>>) dst(%dma_wait3A_34 : memref<97x64xf32, #tpu.memory_space<vmem>>)
      %scan3A_40 = arith.constant 0 : i32
      %scan3A_41 = arith.constant 0 : i32
      %scan3A_42 = arith.constant 13 : i32
      %scan3A_43 = arith.addi %scan3A_41, %scan3A_42 : i32
      %scan3A_44 = arith.constant 1 : i32
      scf.for %scan3A_46 = %scan3A_41 to %scan3A_43 step %scan3A_44  : i32 {
        %mul3A_47 = arith.constant 16 : i32
        %mul3A_48 = arith.muli %scan3A_46, %mul3A_47 : i32
        %get3A = arith.index_cast %mul3A_48 : i32 to index
        %get3A_49 = tpu.vector_load %arg8[%get3A] {strides = array<i32>} : memref<208xf32, #tpu.memory_space<vmem>>, vector<16xf32>,
        %get3A_50 = vector.shape_cast %get3A_49 : vector<16xf32> to vector<16xf32>
        %slice3A = vector.extract_strided_slice %get3A_50 {offsets = [0], sizes = [1], strides = [1]} : vector<16xf32> to vector<1xf32>
        %squeeze3A = vector.extract %slice3A[0] : f32 from vector<1xf32>
        %add3A_51 = arith.constant 0 : i32
        %add3A_52 = arith.addi %mul3A_48, %add3A_51 : i32
        %get3A_53 = arith.index_cast %add3A_52 : i32 to index
        %get3A_54 = arith.constant 0 : index
        %get3A_55 = tpu.vector_load %arg10[%get3A_53, %get3A_54] {strides = array<i32>} : memref<208x64xf32, #tpu.memory_space<vmem>>, vector<1x16xf32>,
        %get3A_56 = vector.shape_cast %get3A_55 : vector<1x16xf32> to vector<16xf32>
        %get3A_57 = arith.index_cast %add3A_52 : i32 to index
        %get3A_58 = arith.constant 0 : index
        %get3A_59 = tpu.vector_load %arg9[%get3A_57, %get3A_58] {strides = array<i32>} : memref<208x64xf32, #tpu.memory_space<vmem>>, vector<1x16xf32>,
        %get3A_60 = vector.shape_cast %get3A_59 : vector<1x16xf32> to vector<16xf32>
        %add3A_61 = arith.addf %get3A_56, %get3A_60 : vector<16xf32>
        %mul3A_62 = vector.broadcast %squeeze3A : f32 to vector<16xf32>
        %mul3A_63 = arith.mulf %add3A_61, %mul3A_62 : vector<16xf32>
        %swap3A = arith.index_cast %add3A_52 : i32 to index
        %swap3A_64 = arith.constant 0 : index
        %swap3A_65 = tpu.vector_load %arg10[%swap3A, %swap3A_64] {strides = array<i32>} : memref<208x64xf32, #tpu.memory_space<vmem>>, vector<1x16xf32>,
        %swap3A_66 = vector.shape_cast %swap3A_65 : vector<1x16xf32> to vector<16xf32>
        %swap3A_67 = vector.shape_cast %mul3A_63 : vector<16xf32> to vector<1x16xf32>
        tpu.vector_store %arg10[%swap3A, %swap3A_64], %swap3A_67 {strides = array<i32>} : memref<208x64xf32, #tpu.memory_space<vmem>>, vector<1x16xf32>,
        %get3A_68 = arith.index_cast %add3A_52 : i32 to index
        %get3A_69 = arith.constant 16 : index
        %get3A_70 = tpu.vector_load %arg10[%get3A_68, %get3A_69] {strides = array<i32>} : memref<208x64xf32, #tpu.memory_space<vmem>>, vector<1x16xf32>,
        %get3A_71 = vector.shape_cast %get3A_70 : vector<1x16xf32> to vector<16xf32>
        %get3A_72 = arith.index_cast %add3A_52 : i32 to index
        %get3A_73 = arith.constant 16 : index
        %get3A_74 = tpu.vector_load %arg9[%get3A_72, %get3A_73] {strides = array<i32>} : memref<208x64xf32, #tpu.memory_space<vmem>>, vector<1x16xf32>,
        %get3A_75 = vector.shape_cast %get3A_74 : vector<1x16xf32> to vector<16xf32>
        %add3A_76 = arith.addf %get3A_71, %get3A_75 : vector<16xf32>
        %mul3A_77 = vector.broadcast %squeeze3A : f32 to vector<16xf32>
        %mul3A_78 = arith.mulf %add3A_76, %mul3A_77 : vector<16xf32>
        %swap3A_79 = arith.index_cast %add3A_52 : i32 to index
        %swap3A_80 = arith.constant 16 : index
        %swap3A_81 = tpu.vector_load %arg10[%swap3A_79, %swap3A_80] {strides = array<i32>} : memref<208x64xf32, #tpu.memory_space<vmem>>, vector<1x16xf32>,
        %swap3A_82 = vector.shape_cast %swap3A_81 : vector<1x16xf32> to vector<16xf32>
        %swap3A_83 = vector.shape_cast %mul3A_78 : vector<16xf32> to vector<1x16xf32>
        tpu.vector_store %arg10[%swap3A_79, %swap3A_80], %swap3A_83 {strides = array<i32>} : memref<208x64xf32, #tpu.memory_space<vmem>>, vector<1x16xf32>,
        %get3A_84 = arith.index_cast %add3A_52 : i32 to index
        %get3A_85 = arith.constant 32 : index
        %get3A_86 = tpu.vector_load %arg10[%get3A_84, %get3A_85] {strides = array<i32>} : memref<208x64xf32, #tpu.memory_space<vmem>>, vector<1x16xf32>,
        %get3A_87 = vector.shape_cast %get3A_86 : vector<1x16xf32> to vector<16xf32>
        %get3A_88 = arith.index_cast %add3A_52 : i32 to index
        %get3A_89 = arith.constant 32 : index
        %get3A_90 = tpu.vector_load %arg9[%get3A_88, %get3A_89] {strides = array<i32>} : memref<208x64xf32, #tpu.memory_space<vmem>>, vector<1x16xf32>,
        %get3A_91 = vector.shape_cast %get3A_90 : vector<1x16xf32> to vector<16xf32>
        %add3A_92 = arith.addf %get3A_87, %get3A_91 : vector<16xf32>
        %mul3A_93 = vector.broadcast %squeeze3A : f32 to vector<16xf32>
        %mul3A_94 = arith.mulf %add3A_92, %mul3A_93 : vector<16xf32>
        %swap3A_95 = arith.index_cast %add3A_52 : i32 to index
        %swap3A_96 = arith.constant 32 : index
        %swap3A_97 = tpu.vector_load %arg10[%swap3A_95, %swap3A_96] {strides = array<i32>} : memref<208x64xf32, #tpu.memory_space<vmem>>, vector<1x16xf32>,
        %swap3A_98 = vector.shape_cast %swap3A_97 : vector<1x16xf32> to vector<16xf32>
        %swap3A_99 = vector.shape_cast %mul3A_94 : vector<16xf32> to vector<1x16xf32>
        tpu.vector_store %arg10[%swap3A_95, %swap3A_96], %swap3A_99 {strides = array<i32>} : memref<208x64xf32, #tpu.memory_space<vmem>>, vector<1x16xf32>,
        %get3A_100 = arith.index_cast %add3A_52 : i32 to index
        %get3A_101 = arith.constant 48 : index
        %get3A_102 = tpu.vector_load %arg10[%get3A_100, %get3A_101] {strides = array<i32>} : memref<208x64xf32, #tpu.memory_space<vmem>>, vector<1x16xf32>,
        %get3A_103 = vector.shape_cast %get3A_102 : vector<1x16xf32> to vector<16xf32>
        %get3A_104 = arith.index_cast %add3A_52 : i32 to index
        %get3A_105 = arith.constant 48 : index
        %get3A_106 = tpu.vector_load %arg9[%get3A_104, %get3A_105] {strides = array<i32>} : memref<208x64xf32, #tpu.memory_space<vmem>>, vector<1x16xf32>,
        %get3A_107 = vector.shape_cast %get3A_106 : vector<1x16xf32> to vector<16xf32>
        %add3A_108 = arith.addf %get3A_103, %get3A_107 : vector<16xf32>
        %mul3A_109 = vector.broadcast %squeeze3A : f32 to vector<16xf32>
        %mul3A_110 = arith.mulf %add3A_108, %mul3A_109 : vector<16xf32>
        %swap3A_111 = arith.index_cast %add3A_52 : i32 to index
        %swap3A_112 = arith.constant 48 : index
        %swap3A_113 = tpu.vector_load %arg10[%swap3A_111, %swap3A_112] {strides = array<i32>} : memref<208x64xf32, #tpu.memory_space<vmem>>, vector<1x16xf32>,
        %swap3A_114 = vector.shape_cast %swap3A_113 : vector<1x16xf32> to vector<16xf32>
        %swap3A_115 = vector.shape_cast %mul3A_110 : vector<16xf32> to vector<1x16xf32>
        tpu.vector_store %arg10[%swap3A_111, %swap3A_112], %swap3A_115 {strides = array<i32>} : memref<208x64xf32, #tpu.memory_space<vmem>>, vector<1x16xf32>,
        %slice3A_116 = vector.extract_strided_slice %get3A_50 {offsets = [1], sizes = [1], strides = [1]} : vector<16xf32> to vector<1xf32>
        %squeeze3A_117 = vector.extract %slice3A_116[0] : f32 from vector<1xf32>
        %add3A_118 = arith.constant 1 : i32
        %add3A_119 = arith.addi %mul3A_48, %add3A_118 : i32
        %get3A_120 = arith.index_cast %add3A_119 : i32 to index
        %get3A_121 = arith.constant 0 : index
        %get3A_122 = tpu.vector_load %arg10[%get3A_120, %get3A_121] {strides = array<i32>} : memref<208x64xf32, #tpu.memory_space<vmem>>, vector<1x16xf32>,
        %get3A_123 = vector.shape_cast %get3A_122 : vector<1x16xf32> to vector<16xf32>
        %get3A_124 = arith.index_cast %add3A_119 : i32 to index
        %get3A_125 = arith.constant 0 : index
        %get3A_126 = tpu.vector_load %arg9[%get3A_124, %get3A_125] {strides = array<i32>} : memref<208x64xf32, #tpu.memory_space<vmem>>, vector<1x16xf32>,
        %get3A_127 = vector.shape_cast %get3A_126 : vector<1x16xf32> to vector<16xf32>
        %add3A_128 = arith.addf %get3A_123, %get3A_127 : vector<16xf32>
        %mul3A_129 = vector.broadcast %squeeze3A_117 : f32 to vector<16xf32>
        %mul3A_130 = arith.mulf %add3A_128, %mul3A_129 : vector<16xf32>
        %swap3A_131 = arith.index_cast %add3A_119 : i32 to index
        %swap3A_132 = arith.constant 0 : index
        %swap3A_133 = tpu.vector_load %arg10[%swap3A_131, %swap3A_132] {strides = array<i32>} : memref<208x64xf32, #tpu.memory_space<vmem>>, vector<1x16xf32>,
        %swap3A_134 = vector.shape_cast %swap3A_133 : vector<1x16xf32> to vector<16xf32>
        %swap3A_135 = vector.shape_cast %mul3A_130 : vector<16xf32> to vector<1x16xf32>
        tpu.vector_store %arg10[%swap3A_131, %swap3A_132], %swap3A_135 {strides = array<i32>} : memref<208x64xf32, #tpu.memory_space<vmem>>, vector<1x16xf32>,
        %get3A_136 = arith.index_cast %add3A_119 : i32 to index
        %get3A_137 = arith.constant 16 : index
        %get3A_138 = tpu.vector_load %arg10[%get3A_136, %get3A_137] {strides = array<i32>} : memref<208x64xf32, #tpu.memory_space<vmem>>, vector<1x16xf32>,
        %get3A_139 = vector.shape_cast %get3A_138 : vector<1x16xf32> to vector<16xf32>
        %get3A_140 = arith.index_cast %add3A_119 : i32 to index
        %get3A_141 = arith.constant 16 : index
        %get3A_142 = tpu.vector_load %arg9[%get3A_140, %get3A_141] {strides = array<i32>} : memref<208x64xf32, #tpu.memory_space<vmem>>, vector<1x16xf32>,
        %get3A_143 = vector.shape_cast %get3A_142 : vector<1x16xf32> to vector<16xf32>
        %add3A_144 = arith.addf %get3A_139, %get3A_143 : vector<16xf32>
        %mul3A_145 = vector.broadcast %squeeze3A_117 : f32 to vector<16xf32>
        %mul3A_146 = arith.mulf %add3A_144, %mul3A_145 : vector<16xf32>
        %swap3A_147 = arith.index_cast %add3A_119 : i32 to index
        %swap3A_148 = arith.constant 16 : index
        %swap3A_149 = tpu.vector_load %arg10[%swap3A_147, %swap3A_148] {strides = array<i32>} : memref<208x64xf32, #tpu.memory_space<vmem>>, vector<1x16xf32>,
        %swap3A_150 = vector.shape_cast %swap3A_149 : vector<1x16xf32> to vector<16xf32>
        %swap3A_151 = vector.shape_cast %mul3A_146 : vector<16xf32> to vector<1x16xf32>
        tpu.vector_store %arg10[%swap3A_147, %swap3A_148], %swap3A_151 {strides = array<i32>} : memref<208x64xf32, #tpu.memory_space<vmem>>, vector<1x16xf32>,
        %get3A_152 = arith.index_cast %add3A_119 : i32 to index
        %get3A_153 = arith.constant 32 : index
        %get3A_154 = tpu.vector_load %arg10[%get3A_152, %get3A_153] {strides = array<i32>} : memref<208x64xf32, #tpu.memory_space<vmem>>, vector<1x16xf32>,
        %get3A_155 = vector.shape_cast %get3A_154 : vector<1x16xf32> to vector<16xf32>
        %get3A_156 = arith.index_cast %add3A_119 : i32 to index
        %get3A_157 = arith.constant 32 : index
        %get3A_158 = tpu.vector_load %arg9[%get3A_156, %get3A_157] {strides = array<i32>} : memref<208x64xf32, #tpu.memory_space<vmem>>, vector<1x16xf32>,
        %get3A_159 = vector.shape_cast %get3A_158 : vector<1x16xf32> to vector<16xf32>
        %add3A_160 = arith.addf %get3A_155, %get3A_159 : vector<16xf32>
        %mul3A_161 = vector.broadcast %squeeze3A_117 : f32 to vector<16xf32>
        %mul3A_162 = arith.mulf %add3A_160, %mul3A_161 : vector<16xf32>
        %swap3A_163 = arith.index_cast %add3A_119 : i32 to index
        %swap3A_164 = arith.constant 32 : index
        %swap3A_165 = tpu.vector_load %arg10[%swap3A_163, %swap3A_164] {strides = array<i32>} : memref<208x64xf32, #tpu.memory_space<vmem>>, vector<1x16xf32>,
        %swap3A_166 = vector.shape_cast %swap3A_165 : vector<1x16xf32> to vector<16xf32>
        %swap3A_167 = vector.shape_cast %mul3A_162 : vector<16xf32> to vector<1x16xf32>
        tpu.vector_store %arg10[%swap3A_163, %swap3A_164], %swap3A_167 {strides = array<i32>} : memref<208x64xf32, #tpu.memory_space<vmem>>, vector<1x16xf32>,
        %get3A_168 = arith.index_cast %add3A_119 : i32 to index
        %get3A_169 = arith.constant 48 : index
        %get3A_170 = tpu.vector_load %arg10[%get3A_168, %get3A_169] {strides = array<i32>} : memref<208x64xf32, #tpu.memory_space<vmem>>, vector<1x16xf32>,
        %get3A_171 = vector.shape_cast %get3A_170 : vector<1x16xf32> to vector<16xf32>
        %get3A_172 = arith.index_cast %add3A_119 : i32 to index
        %get3A_173 = arith.constant 48 : index
        %get3A_174 = tpu.vector_load %arg9[%get3A_172, %get3A_173] {strides = array<i32>} : memref<208x64xf32, #tpu.memory_space<vmem>>, vector<1x16xf32>,
        %get3A_175 = vector.shape_cast %get3A_174 : vector<1x16xf32> to vector<16xf32>
        %add3A_176 = arith.addf %get3A_171, %get3A_175 : vector<16xf32>
        %mul3A_177 = vector.broadcast %squeeze3A_117 : f32 to vector<16xf32>
        %mul3A_178 = arith.mulf %add3A_176, %mul3A_177 : vector<16xf32>
        %swap3A_179 = arith.index_cast %add3A_119 : i32 to index
        %swap3A_180 = arith.constant 48 : index
        %swap3A_181 = tpu.vector_load %arg10[%swap3A_179, %swap3A_180] {strides = array<i32>} : memref<208x64xf32, #tpu.memory_space<vmem>>, vector<1x16xf32>,
        %swap3A_182 = vector.shape_cast %swap3A_181 : vector<1x16xf32> to vector<16xf32>
        %swap3A_183 = vector.shape_cast %mul3A_178 : vector<16xf32> to vector<1x16xf32>
        tpu.vector_store %arg10[%swap3A_179, %swap3A_180], %swap3A_183 {strides = array<i32>} : memref<208x64xf32, #tpu.memory_space<vmem>>, vector<1x16xf32>,
        %slice3A_184 = vector.extract_strided_slice %get3A_50 {offsets = [2], sizes = [1], strides = [1]} : vector<16xf32> to vector<1xf32>
        %squeeze3A_185 = vector.extract %slice3A_184[0] : f32 from vector<1xf32>
        %add3A_186 = arith.constant 2 : i32
        %add3A_187 = arith.addi %mul3A_48, %add3A_186 : i32
        %get3A_188 = arith.index_cast %add3A_187 : i32 to index
        %get3A_189 = arith.constant 0 : index
        %get3A_190 = tpu.vector_load %arg10[%get3A_188, %get3A_189] {strides = array<i32>} : memref<208x64xf32, #tpu.memory_space<vmem>>, vector<1x16xf32>,
        %get3A_191 = vector.shape_cast %get3A_190 : vector<1x16xf32> to vector<16xf32>
        %get3A_192 = arith.index_cast %add3A_187 : i32 to index
        %get3A_193 = arith.constant 0 : index
        %get3A_194 = tpu.vector_load %arg9[%get3A_192, %get3A_193] {strides = array<i32>} : memref<208x64xf32, #tpu.memory_space<vmem>>, vector<1x16xf32>,
        %get3A_195 = vector.shape_cast %get3A_194 : vector<1x16xf32> to vector<16xf32>
        %add3A_196 = arith.addf %get3A_191, %get3A_195 : vector<16xf32>
        %mul3A_197 = vector.broadcast %squeeze3A_185 : f32 to vector<16xf32>
        %mul3A_198 = arith.mulf %add3A_196, %mul3A_197 : vector<16xf32>
        %swap3A_199 = arith.index_cast %add3A_187 : i32 to index
        %swap3A_200 = arith.constant 0 : index
        %swap3A_201 = tpu.vector_load %arg10[%swap3A_199, %swap3A_200] {strides = array<i32>} : memref<208x64xf32, #tpu.memory_space<vmem>>, vector<1x16xf32>,
        %swap3A_202 = vector.shape_cast %swap3A_201 : vector<1x16xf32> to vector<16xf32>
        %swap3A_203 = vector.shape_cast %mul3A_198 : vector<16xf32> to vector<1x16xf32>
        tpu.vector_store %arg10[%swap3A_199, %swap3A_200], %swap3A_203 {strides = array<i32>} : memref<208x64xf32, #tpu.memory_space<vmem>>, vector<1x16xf32>,
        %get3A_204 = arith.index_cast %add3A_187 : i32 to index
        %get3A_205 = arith.constant 16 : index
        %get3A_206 = tpu.vector_load %arg10[%get3A_204, %get3A_205] {strides = array<i32>} : memref<208x64xf32, #tpu.memory_space<vmem>>, vector<1x16xf32>,
        %get3A_207 = vector.shape_cast %get3A_206 : vector<1x16xf32> to vector<16xf32>
        %get3A_208 = arith.index_cast %add3A_187 : i32 to index
        %get3A_209 = arith.constant 16 : index
        %get3A_210 = tpu.vector_load %arg9[%get3A_208, %get3A_209] {strides = array<i32>} : memref<208x64xf32, #tpu.memory_space<vmem>>, vector<1x16xf32>,
        %get3A_211 = vector.shape_cast %get3A_210 : vector<1x16xf32> to vector<16xf32>
        %add3A_212 = arith.addf %get3A_207, %get3A_211 : vector<16xf32>
        %mul3A_213 = vector.broadcast %squeeze3A_185 : f32 to vector<16xf32>
        %mul3A_214 = arith.mulf %add3A_212, %mul3A_213 : vector<16xf32>
        %swap3A_215 = arith.index_cast %add3A_187 : i32 to index
        %swap3A_216 = arith.constant 16 : index
        %swap3A_217 = tpu.vector_load %arg10[%swap3A_215, %swap3A_216] {strides = array<i32>} : memref<208x64xf32, #tpu.memory_space<vmem>>, vector<1x16xf32>,
        %swap3A_218 = vector.shape_cast %swap3A_217 : vector<1x16xf32> to vector<16xf32>
        %swap3A_219 = vector.shape_cast %mul3A_214 : vector<16xf32> to vector<1x16xf32>
        tpu.vector_store %arg10[%swap3A_215, %swap3A_216], %swap3A_219 {strides = array<i32>} : memref<208x64xf32, #tpu.memory_space<vmem>>, vector<1x16xf32>,
        %get3A_220 = arith.index_cast %add3A_187 : i32 to index
        %get3A_221 = arith.constant 32 : index
        %get3A_222 = tpu.vector_load %arg10[%get3A_220, %get3A_221] {strides = array<i32>} : memref<208x64xf32, #tpu.memory_space<vmem>>, vector<1x16xf32>,
        %get3A_223 = vector.shape_cast %get3A_222 : vector<1x16xf32> to vector<16xf32>
        %get3A_224 = arith.index_cast %add3A_187 : i32 to index
        %get3A_225 = arith.constant 32 : index
        %get3A_226 = tpu.vector_load %arg9[%get3A_224, %get3A_225] {strides = array<i32>} : memref<208x64xf32, #tpu.memory_space<vmem>>, vector<1x16xf32>,
        %get3A_227 = vector.shape_cast %get3A_226 : vector<1x16xf32> to vector<16xf32>
        %add3A_228 = arith.addf %get3A_223, %get3A_227 : vector<16xf32>
        %mul3A_229 = vector.broadcast %squeeze3A_185 : f32 to vector<16xf32>
        %mul3A_230 = arith.mulf %add3A_228, %mul3A_229 : vector<16xf32>
        %swap3A_231 = arith.index_cast %add3A_187 : i32 to index
        %swap3A_232 = arith.constant 32 : index
        %swap3A_233 = tpu.vector_load %arg10[%swap3A_231, %swap3A_232] {strides = array<i32>} : memref<208x64xf32, #tpu.memory_space<vmem>>, vector<1x16xf32>,
        %swap3A_234 = vector.shape_cast %swap3A_233 : vector<1x16xf32> to vector<16xf32>
        %swap3A_235 = vector.shape_cast %mul3A_230 : vector<16xf32> to vector<1x16xf32>
        tpu.vector_store %arg10[%swap3A_231, %swap3A_232], %swap3A_235 {strides = array<i32>} : memref<208x64xf32, #tpu.memory_space<vmem>>, vector<1x16xf32>,
        %get3A_236 = arith.index_cast %add3A_187 : i32 to index
        %get3A_237 = arith.constant 48 : index
        %get3A_238 = tpu.vector_load %arg10[%get3A_236, %get3A_237] {strides = array<i32>} : memref<208x64xf32, #tpu.memory_space<vmem>>, vector<1x16xf32>,
        %get3A_239 = vector.shape_cast %get3A_238 : vector<1x16xf32> to vector<16xf32>
        %get3A_240 = arith.index_cast %add3A_187 : i32 to index
        %get3A_241 = arith.constant 48 : index
        %get3A_242 = tpu.vector_load %arg9[%get3A_240, %get3A_241] {strides = array<i32>} : memref<208x64xf32, #tpu.memory_space<vmem>>, vector<1x16xf32>,
        %get3A_243 = vector.shape_cast %get3A_242 : vector<1x16xf32> to vector<16xf32>
        %add3A_244 = arith.addf %get3A_239, %get3A_243 : vector<16xf32>
        %mul3A_245 = vector.broadcast %squeeze3A_185 : f32 to vector<16xf32>
        %mul3A_246 = arith.mulf %add3A_244, %mul3A_245 : vector<16xf32>
        %swap3A_247 = arith.index_cast %add3A_187 : i32 to index
        %swap3A_248 = arith.constant 48 : index
        %swap3A_249 = tpu.vector_load %arg10[%swap3A_247, %swap3A_248] {strides = array<i32>} : memref<208x64xf32, #tpu.memory_space<vmem>>, vector<1x16xf32>,
        %swap3A_250 = vector.shape_cast %swap3A_249 : vector<1x16xf32> to vector<16xf32>
        %swap3A_251 = vector.shape_cast %mul3A_246 : vector<16xf32> to vector<1x16xf32>
        tpu.vector_store %arg10[%swap3A_247, %swap3A_248], %swap3A_251 {strides = array<i32>} : memref<208x64xf32, #tpu.memory_space<vmem>>, vector<1x16xf32>,
        %slice3A_252 = vector.extract_strided_slice %get3A_50 {offsets = [3], sizes = [1], strides = [1]} : vector<16xf32> to vector<1xf32>
        %squeeze3A_253 = vector.extract %slice3A_252[0] : f32 from vector<1xf32>
        %add3A_254 = arith.constant 3 : i32
        %add3A_255 = arith.addi %mul3A_48, %add3A_254 : i32
        %get3A_256 = arith.index_cast %add3A_255 : i32 to index
        %get3A_257 = arith.constant 0 : index
        %get3A_258 = tpu.vector_load %arg10[%get3A_256, %get3A_257] {strides = array<i32>} : memref<208x64xf32, #tpu.memory_space<vmem>>, vector<1x16xf32>,
        %get3A_259 = vector.shape_cast %get3A_258 : vector<1x16xf32> to vector<16xf32>
        %get3A_260 = arith.index_cast %add3A_255 : i32 to index
        %get3A_261 = arith.constant 0 : index
        %get3A_262 = tpu.vector_load %arg9[%get3A_260, %get3A_261] {strides = array<i32>} : memref<208x64xf32, #tpu.memory_space<vmem>>, vector<1x16xf32>,
        %get3A_263 = vector.shape_cast %get3A_262 : vector<1x16xf32> to vector<16xf32>
        %add3A_264 = arith.addf %get3A_259, %get3A_263 : vector<16xf32>
        %mul3A_265 = vector.broadcast %squeeze3A_253 : f32 to vector<16xf32>
        %mul3A_266 = arith.mulf %add3A_264, %mul3A_265 : vector<16xf32>
        %swap3A_267 = arith.index_cast %add3A_255 : i32 to index
        %swap3A_268 = arith.constant 0 : index
        %swap3A_269 = tpu.vector_load %arg10[%swap3A_267, %swap3A_268] {strides = array<i32>} : memref<208x64xf32, #tpu.memory_space<vmem>>, vector<1x16xf32>,
        %swap3A_270 = vector.shape_cast %swap3A_269 : vector<1x16xf32> to vector<16xf32>
        %swap3A_271 = vector.shape_cast %mul3A_266 : vector<16xf32> to vector<1x16xf32>
        tpu.vector_store %arg10[%swap3A_267, %swap3A_268], %swap3A_271 {strides = array<i32>} : memref<208x64xf32, #tpu.memory_space<vmem>>, vector<1x16xf32>,
        %get3A_272 = arith.index_cast %add3A_255 : i32 to index
        %get3A_273 = arith.constant 16 : index
        %get3A_274 = tpu.vector_load %arg10[%get3A_272, %get3A_273] {strides = array<i32>} : memref<208x64xf32, #tpu.memory_space<vmem>>, vector<1x16xf32>,
        %get3A_275 = vector.shape_cast %get3A_274 : vector<1x16xf32> to vector<16xf32>
        %get3A_276 = arith.index_cast %add3A_255 : i32 to index
        %get3A_277 = arith.constant 16 : index
        %get3A_278 = tpu.vector_load %arg9[%get3A_276, %get3A_277] {strides = array<i32>} : memref<208x64xf32, #tpu.memory_space<vmem>>, vector<1x16xf32>,
        %get3A_279 = vector.shape_cast %get3A_278 : vector<1x16xf32> to vector<16xf32>
        %add3A_280 = arith.addf %get3A_275, %get3A_279 : vector<16xf32>
        %mul3A_281 = vector.broadcast %squeeze3A_253 : f32 to vector<16xf32>
        %mul3A_282 = arith.mulf %add3A_280, %mul3A_281 : vector<16xf32>
        %swap3A_283 = arith.index_cast %add3A_255 : i32 to index
        %swap3A_284 = arith.constant 16 : index
        %swap3A_285 = tpu.vector_load %arg10[%swap3A_283, %swap3A_284] {strides = array<i32>} : memref<208x64xf32, #tpu.memory_space<vmem>>, vector<1x16xf32>,
        %swap3A_286 = vector.shape_cast %swap3A_285 : vector<1x16xf32> to vector<16xf32>
        %swap3A_287 = vector.shape_cast %mul3A_282 : vector<16xf32> to vector<1x16xf32>
        tpu.vector_store %arg10[%swap3A_283, %swap3A_284], %swap3A_287 {strides = array<i32>} : memref<208x64xf32, #tpu.memory_space<vmem>>, vector<1x16xf32>,
        %get3A_288 = arith.index_cast %add3A_255 : i32 to index
        %get3A_289 = arith.constant 32 : index
        %get3A_290 = tpu.vector_load %arg10[%get3A_288, %get3A_289] {strides = array<i32>} : memref<208x64xf32, #tpu.memory_space<vmem>>, vector<1x16xf32>,
        %get3A_291 = vector.shape_cast %get3A_290 : vector<1x16xf32> to vector<16xf32>
        %get3A_292 = arith.index_cast %add3A_255 : i32 to index
        %get3A_293 = arith.constant 32 : index
        %get3A_294 = tpu.vector_load %arg9[%get3A_292, %get3A_293] {strides = array<i32>} : memref<208x64xf32, #tpu.memory_space<vmem>>, vector<1x16xf32>,
        %get3A_295 = vector.shape_cast %get3A_294 : vector<1x16xf32> to vector<16xf32>
        %add3A_296 = arith.addf %get3A_291, %get3A_295 : vector<16xf32>
        %mul3A_297 = vector.broadcast %squeeze3A_253 : f32 to vector<16xf32>
        %mul3A_298 = arith.mulf %add3A_296, %mul3A_297 : vector<16xf32>
        %swap3A_299 = arith.index_cast %add3A_255 : i32 to index
        %swap3A_300 = arith.constant 32 : index
        %swap3A_301 = tpu.vector_load %arg10[%swap3A_299, %swap3A_300] {strides = array<i32>} : memref<208x64xf32, #tpu.memory_space<vmem>>, vector<1x16xf32>,
        %swap3A_302 = vector.shape_cast %swap3A_301 : vector<1x16xf32> to vector<16xf32>
        %swap3A_303 = vector.shape_cast %mul3A_298 : vector<16xf32> to vector<1x16xf32>
        tpu.vector_store %arg10[%swap3A_299, %swap3A_300], %swap3A_303 {strides = array<i32>} : memref<208x64xf32, #tpu.memory_space<vmem>>, vector<1x16xf32>,
        %get3A_304 = arith.index_cast %add3A_255 : i32 to index
        %get3A_305 = arith.constant 48 : index
        %get3A_306 = tpu.vector_load %arg10[%get3A_304, %get3A_305] {strides = array<i32>} : memref<208x64xf32, #tpu.memory_space<vmem>>, vector<1x16xf32>,
        %get3A_307 = vector.shape_cast %get3A_306 : vector<1x16xf32> to vector<16xf32>
        %get3A_308 = arith.index_cast %add3A_255 : i32 to index
        %get3A_309 = arith.constant 48 : index
        %get3A_310 = tpu.vector_load %arg9[%get3A_308, %get3A_309] {strides = array<i32>} : memref<208x64xf32, #tpu.memory_space<vmem>>, vector<1x16xf32>,
        %get3A_311 = vector.shape_cast %get3A_310 : vector<1x16xf32> to vector<16xf32>
        %add3A_312 = arith.addf %get3A_307, %get3A_311 : vector<16xf32>
        %mul3A_313 = vector.broadcast %squeeze3A_253 : f32 to vector<16xf32>
        %mul3A_314 = arith.mulf %add3A_312, %mul3A_313 : vector<16xf32>
        %swap3A_315 = arith.index_cast %add3A_255 : i32 to index
        %swap3A_316 = arith.constant 48 : index
        %swap3A_317 = tpu.vector_load %arg10[%swap3A_315, %swap3A_316] {strides = array<i32>} : memref<208x64xf32, #tpu.memory_space<vmem>>, vector<1x16xf32>,
        %swap3A_318 = vector.shape_cast %swap3A_317 : vector<1x16xf32> to vector<16xf32>
        %swap3A_319 = vector.shape_cast %mul3A_314 : vector<16xf32> to vector<1x16xf32>
        tpu.vector_store %arg10[%swap3A_315, %swap3A_316], %swap3A_319 {strides = array<i32>} : memref<208x64xf32, #tpu.memory_space<vmem>>, vector<1x16xf32>,
        %slice3A_320 = vector.extract_strided_slice %get3A_50 {offsets = [4], sizes = [1], strides = [1]} : vector<16xf32> to vector<1xf32>
        %squeeze3A_321 = vector.extract %slice3A_320[0] : f32 from vector<1xf32>
        %add3A_322 = arith.constant 4 : i32
        %add3A_323 = arith.addi %mul3A_48, %add3A_322 : i32
        %get3A_324 = arith.index_cast %add3A_323 : i32 to index
        %get3A_325 = arith.constant 0 : index
        %get3A_326 = tpu.vector_load %arg10[%get3A_324, %get3A_325] {strides = array<i32>} : memref<208x64xf32, #tpu.memory_space<vmem>>, vector<1x16xf32>,
        %get3A_327 = vector.shape_cast %get3A_326 : vector<1x16xf32> to vector<16xf32>
        %get3A_328 = arith.index_cast %add3A_323 : i32 to index
        %get3A_329 = arith.constant 0 : index
        %get3A_330 = tpu.vector_load %arg9[%get3A_328, %get3A_329] {strides = array<i32>} : memref<208x64xf32, #tpu.memory_space<vmem>>, vector<1x16xf32>,
        %get3A_331 = vector.shape_cast %get3A_330 : vector<1x16xf32> to vector<16xf32>
        %add3A_332 = arith.addf %get3A_327, %get3A_331 : vector<16xf32>
        %mul3A_333 = vector.broadcast %squeeze3A_321 : f32 to vector<16xf32>
        %mul3A_334 = arith.mulf %add3A_332, %mul3A_333 : vector<16xf32>
        %swap3A_335 = arith.index_cast %add3A_323 : i32 to index
        %swap3A_336 = arith.constant 0 : index
        %swap3A_337 = tpu.vector_load %arg10[%swap3A_335, %swap3A_336] {strides = array<i32>} : memref<208x64xf32, #tpu.memory_space<vmem>>, vector<1x16xf32>,
        %swap3A_338 = vector.shape_cast %swap3A_337 : vector<1x16xf32> to vector<16xf32>
        %swap3A_339 = vector.shape_cast %mul3A_334 : vector<16xf32> to vector<1x16xf32>
        tpu.vector_store %arg10[%swap3A_335, %swap3A_336], %swap3A_339 {strides = array<i32>} : memref<208x64xf32, #tpu.memory_space<vmem>>, vector<1x16xf32>,
        %get3A_340 = arith.index_cast %add3A_323 : i32 to index
        %get3A_341 = arith.constant 16 : index
        %get3A_342 = tpu.vector_load %arg10[%get3A_340, %get3A_341] {strides = array<i32>} : memref<208x64xf32, #tpu.memory_space<vmem>>, vector<1x16xf32>,
        %get3A_343 = vector.shape_cast %get3A_342 : vector<1x16xf32> to vector<16xf32>
        %get3A_344 = arith.index_cast %add3A_323 : i32 to index
        %get3A_345 = arith.constant 16 : index
        %get3A_346 = tpu.vector_load %arg9[%get3A_344, %get3A_345] {strides = array<i32>} : memref<208x64xf32, #tpu.memory_space<vmem>>, vector<1x16xf32>,
        %get3A_347 = vector.shape_cast %get3A_346 : vector<1x16xf32> to vector<16xf32>
        %add3A_348 = arith.addf %get3A_343, %get3A_347 : vector<16xf32>
        %mul3A_349 = vector.broadcast %squeeze3A_321 : f32 to vector<16xf32>
        %mul3A_350 = arith.mulf %add3A_348, %mul3A_349 : vector<16xf32>
        %swap3A_351 = arith.index_cast %add3A_323 : i32 to index
        %swap3A_352 = arith.constant 16 : index
        %swap3A_353 = tpu.vector_load %arg10[%swap3A_351, %swap3A_352] {strides = array<i32>} : memref<208x64xf32, #tpu.memory_space<vmem>>, vector<1x16xf32>,
        %swap3A_354 = vector.shape_cast %swap3A_353 : vector<1x16xf32> to vector<16xf32>
        %swap3A_355 = vector.shape_cast %mul3A_350 : vector<16xf32> to vector<1x16xf32>
        tpu.vector_store %arg10[%swap3A_351, %swap3A_352], %swap3A_355 {strides = array<i32>} : memref<208x64xf32, #tpu.memory_space<vmem>>, vector<1x16xf32>,
        %get3A_356 = arith.index_cast %add3A_323 : i32 to index
        %get3A_357 = arith.constant 32 : index
        %get3A_358 = tpu.vector_load %arg10[%get3A_356, %get3A_357] {strides = array<i32>} : memref<208x64xf32, #tpu.memory_space<vmem>>, vector<1x16xf32>,
        %get3A_359 = vector.shape_cast %get3A_358 : vector<1x16xf32> to vector<16xf32>
        %get3A_360 = arith.index_cast %add3A_323 : i32 to index
        %get3A_361 = arith.constant 32 : index
        %get3A_362 = tpu.vector_load %arg9[%get3A_360, %get3A_361] {strides = array<i32>} : memref<208x64xf32, #tpu.memory_space<vmem>>, vector<1x16xf32>,
        %get3A_363 = vector.shape_cast %get3A_362 : vector<1x16xf32> to vector<16xf32>
        %add3A_364 = arith.addf %get3A_359, %get3A_363 : vector<16xf32>
        %mul3A_365 = vector.broadcast %squeeze3A_321 : f32 to vector<16xf32>
        %mul3A_366 = arith.mulf %add3A_364, %mul3A_365 : vector<16xf32>
        %swap3A_367 = arith.index_cast %add3A_323 : i32 to index
        %swap3A_368 = arith.constant 32 : index
        %swap3A_369 = tpu.vector_load %arg10[%swap3A_367, %swap3A_368] {strides = array<i32>} : memref<208x64xf32, #tpu.memory_space<vmem>>, vector<1x16xf32>,
        %swap3A_370 = vector.shape_cast %swap3A_369 : vector<1x16xf32> to vector<16xf32>
        %swap3A_371 = vector.shape_cast %mul3A_366 : vector<16xf32> to vector<1x16xf32>
        tpu.vector_store %arg10[%swap3A_367, %swap3A_368], %swap3A_371 {strides = array<i32>} : memref<208x64xf32, #tpu.memory_space<vmem>>, vector<1x16xf32>,
        %get3A_372 = arith.index_cast %add3A_323 : i32 to index
        %get3A_373 = arith.constant 48 : index
        %get3A_374 = tpu.vector_load %arg10[%get3A_372, %get3A_373] {strides = array<i32>} : memref<208x64xf32, #tpu.memory_space<vmem>>, vector<1x16xf32>,
        %get3A_375 = vector.shape_cast %get3A_374 : vector<1x16xf32> to vector<16xf32>
        %get3A_376 = arith.index_cast %add3A_323 : i32 to index
        %get3A_377 = arith.constant 48 : index
        %get3A_378 = tpu.vector_load %arg9[%get3A_376, %get3A_377] {strides = array<i32>} : memref<208x64xf32, #tpu.memory_space<vmem>>, vector<1x16xf32>,
        %get3A_379 = vector.shape_cast %get3A_378 : vector<1x16xf32> to vector<16xf32>
        %add3A_380 = arith.addf %get3A_375, %get3A_379 : vector<16xf32>
        %mul3A_381 = vector.broadcast %squeeze3A_321 : f32 to vector<16xf32>
        %mul3A_382 = arith.mulf %add3A_380, %mul3A_381 : vector<16xf32>
        %swap3A_383 = arith.index_cast %add3A_323 : i32 to index
        %swap3A_384 = arith.constant 48 : index
        %swap3A_385 = tpu.vector_load %arg10[%swap3A_383, %swap3A_384] {strides = array<i32>} : memref<208x64xf32, #tpu.memory_space<vmem>>, vector<1x16xf32>,
        %swap3A_386 = vector.shape_cast %swap3A_385 : vector<1x16xf32> to vector<16xf32>
        %swap3A_387 = vector.shape_cast %mul3A_382 : vector<16xf32> to vector<1x16xf32>
        tpu.vector_store %arg10[%swap3A_383, %swap3A_384], %swap3A_387 {strides = array<i32>} : memref<208x64xf32, #tpu.memory_space<vmem>>, vector<1x16xf32>,
        %slice3A_388 = vector.extract_strided_slice %get3A_50 {offsets = [5], sizes = [1], strides = [1]} : vector<16xf32> to vector<1xf32>
        %squeeze3A_389 = vector.extract %slice3A_388[0] : f32 from vector<1xf32>
        %add3A_390 = arith.constant 5 : i32
        %add3A_391 = arith.addi %mul3A_48, %add3A_390 : i32
        %get3A_392 = arith.index_cast %add3A_391 : i32 to index
        %get3A_393 = arith.constant 0 : index
        %get3A_394 = tpu.vector_load %arg10[%get3A_392, %get3A_393] {strides = array<i32>} : memref<208x64xf32, #tpu.memory_space<vmem>>, vector<1x16xf32>,
        %get3A_395 = vector.shape_cast %get3A_394 : vector<1x16xf32> to vector<16xf32>
        %get3A_396 = arith.index_cast %add3A_391 : i32 to index
        %get3A_397 = arith.constant 0 : index
        %get3A_398 = tpu.vector_load %arg9[%get3A_396, %get3A_397] {strides = array<i32>} : memref<208x64xf32, #tpu.memory_space<vmem>>, vector<1x16xf32>,
        %get3A_399 = vector.shape_cast %get3A_398 : vector<1x16xf32> to vector<16xf32>
        %add3A_400 = arith.addf %get3A_395, %get3A_399 : vector<16xf32>
        %mul3A_401 = vector.broadcast %squeeze3A_389 : f32 to vector<16xf32>
        %mul3A_402 = arith.mulf %add3A_400, %mul3A_401 : vector<16xf32>
        %swap3A_403 = arith.index_cast %add3A_391 : i32 to index
        %swap3A_404 = arith.constant 0 : index
        %swap3A_405 = tpu.vector_load %arg10[%swap3A_403, %swap3A_404] {strides = array<i32>} : memref<208x64xf32, #tpu.memory_space<vmem>>, vector<1x16xf32>,
        %swap3A_406 = vector.shape_cast %swap3A_405 : vector<1x16xf32> to vector<16xf32>
        %swap3A_407 = vector.shape_cast %mul3A_402 : vector<16xf32> to vector<1x16xf32>
        tpu.vector_store %arg10[%swap3A_403, %swap3A_404], %swap3A_407 {strides = array<i32>} : memref<208x64xf32, #tpu.memory_space<vmem>>, vector<1x16xf32>,
        %get3A_408 = arith.index_cast %add3A_391 : i32 to index
        %get3A_409 = arith.constant 16 : index
        %get3A_410 = tpu.vector_load %arg10[%get3A_408, %get3A_409] {strides = array<i32>} : memref<208x64xf32, #tpu.memory_space<vmem>>, vector<1x16xf32>,
        %get3A_411 = vector.shape_cast %get3A_410 : vector<1x16xf32> to vector<16xf32>
        %get3A_412 = arith.index_cast %add3A_391 : i32 to index
        %get3A_413 = arith.constant 16 : index
        %get3A_414 = tpu.vector_load %arg9[%get3A_412, %get3A_413] {strides = array<i32>} : memref<208x64xf32, #tpu.memory_space<vmem>>, vector<1x16xf32>,
        %get3A_415 = vector.shape_cast %get3A_414 : vector<1x16xf32> to vector<16xf32>
        %add3A_416 = arith.addf %get3A_411, %get3A_415 : vector<16xf32>
        %mul3A_417 = vector.broadcast %squeeze3A_389 : f32 to vector<16xf32>
        %mul3A_418 = arith.mulf %add3A_416, %mul3A_417 : vector<16xf32>
        %swap3A_419 = arith.index_cast %add3A_391 : i32 to index
        %swap3A_420 = arith.constant 16 : index
        %swap3A_421 = tpu.vector_load %arg10[%swap3A_419, %swap3A_420] {strides = array<i32>} : memref<208x64xf32, #tpu.memory_space<vmem>>, vector<1x16xf32>,
        %swap3A_422 = vector.shape_cast %swap3A_421 : vector<1x16xf32> to vector<16xf32>
        %swap3A_423 = vector.shape_cast %mul3A_418 : vector<16xf32> to vector<1x16xf32>
        tpu.vector_store %arg10[%swap3A_419, %swap3A_420], %swap3A_423 {strides = array<i32>} : memref<208x64xf32, #tpu.memory_space<vmem>>, vector<1x16xf32>,
        %get3A_424 = arith.index_cast %add3A_391 : i32 to index
        %get3A_425 = arith.constant 32 : index
        %get3A_426 = tpu.vector_load %arg10[%get3A_424, %get3A_425] {strides = array<i32>} : memref<208x64xf32, #tpu.memory_space<vmem>>, vector<1x16xf32>,
        %get3A_427 = vector.shape_cast %get3A_426 : vector<1x16xf32> to vector<16xf32>
        %get3A_428 = arith.index_cast %add3A_391 : i32 to index
        %get3A_429 = arith.constant 32 : index
        %get3A_430 = tpu.vector_load %arg9[%get3A_428, %get3A_429] {strides = array<i32>} : memref<208x64xf32, #tpu.memory_space<vmem>>, vector<1x16xf32>,
        %get3A_431 = vector.shape_cast %get3A_430 : vector<1x16xf32> to vector<16xf32>
        %add3A_432 = arith.addf %get3A_427, %get3A_431 : vector<16xf32>
        %mul3A_433 = vector.broadcast %squeeze3A_389 : f32 to vector<16xf32>
        %mul3A_434 = arith.mulf %add3A_432, %mul3A_433 : vector<16xf32>
        %swap3A_435 = arith.index_cast %add3A_391 : i32 to index
        %swap3A_436 = arith.constant 32 : index
        %swap3A_437 = tpu.vector_load %arg10[%swap3A_435, %swap3A_436] {strides = array<i32>} : memref<208x64xf32, #tpu.memory_space<vmem>>, vector<1x16xf32>,
        %swap3A_438 = vector.shape_cast %swap3A_437 : vector<1x16xf32> to vector<16xf32>
        %swap3A_439 = vector.shape_cast %mul3A_434 : vector<16xf32> to vector<1x16xf32>
        tpu.vector_store %arg10[%swap3A_435, %swap3A_436], %swap3A_439 {strides = array<i32>} : memref<208x64xf32, #tpu.memory_space<vmem>>, vector<1x16xf32>,
        %get3A_440 = arith.index_cast %add3A_391 : i32 to index
        %get3A_441 = arith.constant 48 : index
        %get3A_442 = tpu.vector_load %arg10[%get3A_440, %get3A_441] {strides = array<i32>} : memref<208x64xf32, #tpu.memory_space<vmem>>, vector<1x16xf32>,
        %get3A_443 = vector.shape_cast %get3A_442 : vector<1x16xf32> to vector<16xf32>
        %get3A_444 = arith.index_cast %add3A_391 : i32 to index
        %get3A_445 = arith.constant 48 : index
        %get3A_446 = tpu.vector_load %arg9[%get3A_444, %get3A_445] {strides = array<i32>} : memref<208x64xf32, #tpu.memory_space<vmem>>, vector<1x16xf32>,
        %get3A_447 = vector.shape_cast %get3A_446 : vector<1x16xf32> to vector<16xf32>
        %add3A_448 = arith.addf %get3A_443, %get3A_447 : vector<16xf32>
        %mul3A_449 = vector.broadcast %squeeze3A_389 : f32 to vector<16xf32>
        %mul3A_450 = arith.mulf %add3A_448, %mul3A_449 : vector<16xf32>
        %swap3A_451 = arith.index_cast %add3A_391 : i32 to index
        %swap3A_452 = arith.constant 48 : index
        %swap3A_453 = tpu.vector_load %arg10[%swap3A_451, %swap3A_452] {strides = array<i32>} : memref<208x64xf32, #tpu.memory_space<vmem>>, vector<1x16xf32>,
        %swap3A_454 = vector.shape_cast %swap3A_453 : vector<1x16xf32> to vector<16xf32>
        %swap3A_455 = vector.shape_cast %mul3A_450 : vector<16xf32> to vector<1x16xf32>
        tpu.vector_store %arg10[%swap3A_451, %swap3A_452], %swap3A_455 {strides = array<i32>} : memref<208x64xf32, #tpu.memory_space<vmem>>, vector<1x16xf32>,
        %slice3A_456 = vector.extract_strided_slice %get3A_50 {offsets = [6], sizes = [1], strides = [1]} : vector<16xf32> to vector<1xf32>
        %squeeze3A_457 = vector.extract %slice3A_456[0] : f32 from vector<1xf32>
        %add3A_458 = arith.constant 6 : i32
        %add3A_459 = arith.addi %mul3A_48, %add3A_458 : i32
        %get3A_460 = arith.index_cast %add3A_459 : i32 to index
        %get3A_461 = arith.constant 0 : index
        %get3A_462 = tpu.vector_load %arg10[%get3A_460, %get3A_461] {strides = array<i32>} : memref<208x64xf32, #tpu.memory_space<vmem>>, vector<1x16xf32>,
        %get3A_463 = vector.shape_cast %get3A_462 : vector<1x16xf32> to vector<16xf32>
        %get3A_464 = arith.index_cast %add3A_459 : i32 to index
        %get3A_465 = arith.constant 0 : index
        %get3A_466 = tpu.vector_load %arg9[%get3A_464, %get3A_465] {strides = array<i32>} : memref<208x64xf32, #tpu.memory_space<vmem>>, vector<1x16xf32>,
        %get3A_467 = vector.shape_cast %get3A_466 : vector<1x16xf32> to vector<16xf32>
        %add3A_468 = arith.addf %get3A_463, %get3A_467 : vector<16xf32>
        %mul3A_469 = vector.broadcast %squeeze3A_457 : f32 to vector<16xf32>
        %mul3A_470 = arith.mulf %add3A_468, %mul3A_469 : vector<16xf32>
        %swap3A_471 = arith.index_cast %add3A_459 : i32 to index
        %swap3A_472 = arith.constant 0 : index
        %swap3A_473 = tpu.vector_load %arg10[%swap3A_471, %swap3A_472] {strides = array<i32>} : memref<208x64xf32, #tpu.memory_space<vmem>>, vector<1x16xf32>,
        %swap3A_474 = vector.shape_cast %swap3A_473 : vector<1x16xf32> to vector<16xf32>
        %swap3A_475 = vector.shape_cast %mul3A_470 : vector<16xf32> to vector<1x16xf32>
        tpu.vector_store %arg10[%swap3A_471, %swap3A_472], %swap3A_475 {strides = array<i32>} : memref<208x64xf32, #tpu.memory_space<vmem>>, vector<1x16xf32>,
        %get3A_476 = arith.index_cast %add3A_459 : i32 to index
        %get3A_477 = arith.constant 16 : index
        %get3A_478 = tpu.vector_load %arg10[%get3A_476, %get3A_477] {strides = array<i32>} : memref<208x64xf32, #tpu.memory_space<vmem>>, vector<1x16xf32>,
        %get3A_479 = vector.shape_cast %get3A_478 : vector<1x16xf32> to vector<16xf32>
        %get3A_480 = arith.index_cast %add3A_459 : i32 to index
        %get3A_481 = arith.constant 16 : index
        %get3A_482 = tpu.vector_load %arg9[%get3A_480, %get3A_481] {strides = array<i32>} : memref<208x64xf32, #tpu.memory_space<vmem>>, vector<1x16xf32>,
        %get3A_483 = vector.shape_cast %get3A_482 : vector<1x16xf32> to vector<16xf32>
        %add3A_484 = arith.addf %get3A_479, %get3A_483 : vector<16xf32>
        %mul3A_485 = vector.broadcast %squeeze3A_457 : f32 to vector<16xf32>
        %mul3A_486 = arith.mulf %add3A_484, %mul3A_485 : vector<16xf32>
        %swap3A_487 = arith.index_cast %add3A_459 : i32 to index
        %swap3A_488 = arith.constant 16 : index
        %swap3A_489 = tpu.vector_load %arg10[%swap3A_487, %swap3A_488] {strides = array<i32>} : memref<208x64xf32, #tpu.memory_space<vmem>>, vector<1x16xf32>,
        %swap3A_490 = vector.shape_cast %swap3A_489 : vector<1x16xf32> to vector<16xf32>
        %swap3A_491 = vector.shape_cast %mul3A_486 : vector<16xf32> to vector<1x16xf32>
        tpu.vector_store %arg10[%swap3A_487, %swap3A_488], %swap3A_491 {strides = array<i32>} : memref<208x64xf32, #tpu.memory_space<vmem>>, vector<1x16xf32>,
        %get3A_492 = arith.index_cast %add3A_459 : i32 to index
        %get3A_493 = arith.constant 32 : index
        %get3A_494 = tpu.vector_load %arg10[%get3A_492, %get3A_493] {strides = array<i32>} : memref<208x64xf32, #tpu.memory_space<vmem>>, vector<1x16xf32>,
        %get3A_495 = vector.shape_cast %get3A_494 : vector<1x16xf32> to vector<16xf32>
        %get3A_496 = arith.index_cast %add3A_459 : i32 to index
        %get3A_497 = arith.constant 32 : index
        %get3A_498 = tpu.vector_load %arg9[%get3A_496, %get3A_497] {strides = array<i32>} : memref<208x64xf32, #tpu.memory_space<vmem>>, vector<1x16xf32>,
        %get3A_499 = vector.shape_cast %get3A_498 : vector<1x16xf32> to vector<16xf32>
        %add3A_500 = arith.addf %get3A_495, %get3A_499 : vector<16xf32>
        %mul3A_501 = vector.broadcast %squeeze3A_457 : f32 to vector<16xf32>
        %mul3A_502 = arith.mulf %add3A_500, %mul3A_501 : vector<16xf32>
        %swap3A_503 = arith.index_cast %add3A_459 : i32 to index
        %swap3A_504 = arith.constant 32 : index
        %swap3A_505 = tpu.vector_load %arg10[%swap3A_503, %swap3A_504] {strides = array<i32>} : memref<208x64xf32, #tpu.memory_space<vmem>>, vector<1x16xf32>,
        %swap3A_506 = vector.shape_cast %swap3A_505 : vector<1x16xf32> to vector<16xf32>
        %swap3A_507 = vector.shape_cast %mul3A_502 : vector<16xf32> to vector<1x16xf32>
        tpu.vector_store %arg10[%swap3A_503, %swap3A_504], %swap3A_507 {strides = array<i32>} : memref<208x64xf32, #tpu.memory_space<vmem>>, vector<1x16xf32>,
        %get3A_508 = arith.index_cast %add3A_459 : i32 to index
        %get3A_509 = arith.constant 48 : index
        %get3A_510 = tpu.vector_load %arg10[%get3A_508, %get3A_509] {strides = array<i32>} : memref<208x64xf32, #tpu.memory_space<vmem>>, vector<1x16xf32>,
        %get3A_511 = vector.shape_cast %get3A_510 : vector<1x16xf32> to vector<16xf32>
        %get3A_512 = arith.index_cast %add3A_459 : i32 to index
        %get3A_513 = arith.constant 48 : index
        %get3A_514 = tpu.vector_load %arg9[%get3A_512, %get3A_513] {strides = array<i32>} : memref<208x64xf32, #tpu.memory_space<vmem>>, vector<1x16xf32>,
        %get3A_515 = vector.shape_cast %get3A_514 : vector<1x16xf32> to vector<16xf32>
        %add3A_516 = arith.addf %get3A_511, %get3A_515 : vector<16xf32>
        %mul3A_517 = vector.broadcast %squeeze3A_457 : f32 to vector<16xf32>
        %mul3A_518 = arith.mulf %add3A_516, %mul3A_517 : vector<16xf32>
        %swap3A_519 = arith.index_cast %add3A_459 : i32 to index
        %swap3A_520 = arith.constant 48 : index
        %swap3A_521 = tpu.vector_load %arg10[%swap3A_519, %swap3A_520] {strides = array<i32>} : memref<208x64xf32, #tpu.memory_space<vmem>>, vector<1x16xf32>,
        %swap3A_522 = vector.shape_cast %swap3A_521 : vector<1x16xf32> to vector<16xf32>
        %swap3A_523 = vector.shape_cast %mul3A_518 : vector<16xf32> to vector<1x16xf32>
        tpu.vector_store %arg10[%swap3A_519, %swap3A_520], %swap3A_523 {strides = array<i32>} : memref<208x64xf32, #tpu.memory_space<vmem>>, vector<1x16xf32>,
        %slice3A_524 = vector.extract_strided_slice %get3A_50 {offsets = [7], sizes = [1], strides = [1]} : vector<16xf32> to vector<1xf32>
        %squeeze3A_525 = vector.extract %slice3A_524[0] : f32 from vector<1xf32>
        %add3A_526 = arith.constant 7 : i32
        %add3A_527 = arith.addi %mul3A_48, %add3A_526 : i32
        %get3A_528 = arith.index_cast %add3A_527 : i32 to index
        %get3A_529 = arith.constant 0 : index
        %get3A_530 = tpu.vector_load %arg10[%get3A_528, %get3A_529] {strides = array<i32>} : memref<208x64xf32, #tpu.memory_space<vmem>>, vector<1x16xf32>,
        %get3A_531 = vector.shape_cast %get3A_530 : vector<1x16xf32> to vector<16xf32>
        %get3A_532 = arith.index_cast %add3A_527 : i32 to index
        %get3A_533 = arith.constant 0 : index
        %get3A_534 = tpu.vector_load %arg9[%get3A_532, %get3A_533] {strides = array<i32>} : memref<208x64xf32, #tpu.memory_space<vmem>>, vector<1x16xf32>,
        %get3A_535 = vector.shape_cast %get3A_534 : vector<1x16xf32> to vector<16xf32>
        %add3A_536 = arith.addf %get3A_531, %get3A_535 : vector<16xf32>
        %mul3A_537 = vector.broadcast %squeeze3A_525 : f32 to vector<16xf32>
        %mul3A_538 = arith.mulf %add3A_536, %mul3A_537 : vector<16xf32>
        %swap3A_539 = arith.index_cast %add3A_527 : i32 to index
        %swap3A_540 = arith.constant 0 : index
        %swap3A_541 = tpu.vector_load %arg10[%swap3A_539, %swap3A_540] {strides = array<i32>} : memref<208x64xf32, #tpu.memory_space<vmem>>, vector<1x16xf32>,
        %swap3A_542 = vector.shape_cast %swap3A_541 : vector<1x16xf32> to vector<16xf32>
        %swap3A_543 = vector.shape_cast %mul3A_538 : vector<16xf32> to vector<1x16xf32>
        tpu.vector_store %arg10[%swap3A_539, %swap3A_540], %swap3A_543 {strides = array<i32>} : memref<208x64xf32, #tpu.memory_space<vmem>>, vector<1x16xf32>,
        %get3A_544 = arith.index_cast %add3A_527 : i32 to index
        %get3A_545 = arith.constant 16 : index
        %get3A_546 = tpu.vector_load %arg10[%get3A_544, %get3A_545] {strides = array<i32>} : memref<208x64xf32, #tpu.memory_space<vmem>>, vector<1x16xf32>,
        %get3A_547 = vector.shape_cast %get3A_546 : vector<1x16xf32> to vector<16xf32>
        %get3A_548 = arith.index_cast %add3A_527 : i32 to index
        %get3A_549 = arith.constant 16 : index
        %get3A_550 = tpu.vector_load %arg9[%get3A_548, %get3A_549] {strides = array<i32>} : memref<208x64xf32, #tpu.memory_space<vmem>>, vector<1x16xf32>,
        %get3A_551 = vector.shape_cast %get3A_550 : vector<1x16xf32> to vector<16xf32>
        %add3A_552 = arith.addf %get3A_547, %get3A_551 : vector<16xf32>
        %mul3A_553 = vector.broadcast %squeeze3A_525 : f32 to vector<16xf32>
        %mul3A_554 = arith.mulf %add3A_552, %mul3A_553 : vector<16xf32>
        %swap3A_555 = arith.index_cast %add3A_527 : i32 to index
        %swap3A_556 = arith.constant 16 : index
        %swap3A_557 = tpu.vector_load %arg10[%swap3A_555, %swap3A_556] {strides = array<i32>} : memref<208x64xf32, #tpu.memory_space<vmem>>, vector<1x16xf32>,
        %swap3A_558 = vector.shape_cast %swap3A_557 : vector<1x16xf32> to vector<16xf32>
        %swap3A_559 = vector.shape_cast %mul3A_554 : vector<16xf32> to vector<1x16xf32>
        tpu.vector_store %arg10[%swap3A_555, %swap3A_556], %swap3A_559 {strides = array<i32>} : memref<208x64xf32, #tpu.memory_space<vmem>>, vector<1x16xf32>,
        %get3A_560 = arith.index_cast %add3A_527 : i32 to index
        %get3A_561 = arith.constant 32 : index
        %get3A_562 = tpu.vector_load %arg10[%get3A_560, %get3A_561] {strides = array<i32>} : memref<208x64xf32, #tpu.memory_space<vmem>>, vector<1x16xf32>,
        %get3A_563 = vector.shape_cast %get3A_562 : vector<1x16xf32> to vector<16xf32>
        %get3A_564 = arith.index_cast %add3A_527 : i32 to index
        %get3A_565 = arith.constant 32 : index
        %get3A_566 = tpu.vector_load %arg9[%get3A_564, %get3A_565] {strides = array<i32>} : memref<208x64xf32, #tpu.memory_space<vmem>>, vector<1x16xf32>,
        %get3A_567 = vector.shape_cast %get3A_566 : vector<1x16xf32> to vector<16xf32>
        %add3A_568 = arith.addf %get3A_563, %get3A_567 : vector<16xf32>
        %mul3A_569 = vector.broadcast %squeeze3A_525 : f32 to vector<16xf32>
        %mul3A_570 = arith.mulf %add3A_568, %mul3A_569 : vector<16xf32>
        %swap3A_571 = arith.index_cast %add3A_527 : i32 to index
        %swap3A_572 = arith.constant 32 : index
        %swap3A_573 = tpu.vector_load %arg10[%swap3A_571, %swap3A_572] {strides = array<i32>} : memref<208x64xf32, #tpu.memory_space<vmem>>, vector<1x16xf32>,
        %swap3A_574 = vector.shape_cast %swap3A_573 : vector<1x16xf32> to vector<16xf32>
        %swap3A_575 = vector.shape_cast %mul3A_570 : vector<16xf32> to vector<1x16xf32>
        tpu.vector_store %arg10[%swap3A_571, %swap3A_572], %swap3A_575 {strides = array<i32>} : memref<208x64xf32, #tpu.memory_space<vmem>>, vector<1x16xf32>,
        %get3A_576 = arith.index_cast %add3A_527 : i32 to index
        %get3A_577 = arith.constant 48 : index
        %get3A_578 = tpu.vector_load %arg10[%get3A_576, %get3A_577] {strides = array<i32>} : memref<208x64xf32, #tpu.memory_space<vmem>>, vector<1x16xf32>,
        %get3A_579 = vector.shape_cast %get3A_578 : vector<1x16xf32> to vector<16xf32>
        %get3A_580 = arith.index_cast %add3A_527 : i32 to index
        %get3A_581 = arith.constant 48 : index
        %get3A_582 = tpu.vector_load %arg9[%get3A_580, %get3A_581] {strides = array<i32>} : memref<208x64xf32, #tpu.memory_space<vmem>>, vector<1x16xf32>,
        %get3A_583 = vector.shape_cast %get3A_582 : vector<1x16xf32> to vector<16xf32>
        %add3A_584 = arith.addf %get3A_579, %get3A_583 : vector<16xf32>
        %mul3A_585 = vector.broadcast %squeeze3A_525 : f32 to vector<16xf32>
        %mul3A_586 = arith.mulf %add3A_584, %mul3A_585 : vector<16xf32>
        %swap3A_587 = arith.index_cast %add3A_527 : i32 to index
        %swap3A_588 = arith.constant 48 : index
        %swap3A_589 = tpu.vector_load %arg10[%swap3A_587, %swap3A_588] {strides = array<i32>} : memref<208x64xf32, #tpu.memory_space<vmem>>, vector<1x16xf32>,
        %swap3A_590 = vector.shape_cast %swap3A_589 : vector<1x16xf32> to vector<16xf32>
        %swap3A_591 = vector.shape_cast %mul3A_586 : vector<16xf32> to vector<1x16xf32>
        tpu.vector_store %arg10[%swap3A_587, %swap3A_588], %swap3A_591 {strides = array<i32>} : memref<208x64xf32, #tpu.memory_space<vmem>>, vector<1x16xf32>,
        %slice3A_592 = vector.extract_strided_slice %get3A_50 {offsets = [8], sizes = [1], strides = [1]} : vector<16xf32> to vector<1xf32>
        %squeeze3A_593 = vector.extract %slice3A_592[0] : f32 from vector<1xf32>
        %add3A_594 = arith.constant 8 : i32
        %add3A_595 = arith.addi %mul3A_48, %add3A_594 : i32
        %get3A_596 = arith.index_cast %add3A_595 : i32 to index
        %get3A_597 = arith.constant 0 : index
        %get3A_598 = tpu.vector_load %arg10[%get3A_596, %get3A_597] {strides = array<i32>} : memref<208x64xf32, #tpu.memory_space<vmem>>, vector<1x16xf32>,
        %get3A_599 = vector.shape_cast %get3A_598 : vector<1x16xf32> to vector<16xf32>
        %get3A_600 = arith.index_cast %add3A_595 : i32 to index
        %get3A_601 = arith.constant 0 : index
        %get3A_602 = tpu.vector_load %arg9[%get3A_600, %get3A_601] {strides = array<i32>} : memref<208x64xf32, #tpu.memory_space<vmem>>, vector<1x16xf32>,
        %get3A_603 = vector.shape_cast %get3A_602 : vector<1x16xf32> to vector<16xf32>
        %add3A_604 = arith.addf %get3A_599, %get3A_603 : vector<16xf32>
        %mul3A_605 = vector.broadcast %squeeze3A_593 : f32 to vector<16xf32>
        %mul3A_606 = arith.mulf %add3A_604, %mul3A_605 : vector<16xf32>
        %swap3A_607 = arith.index_cast %add3A_595 : i32 to index
        %swap3A_608 = arith.constant 0 : index
        %swap3A_609 = tpu.vector_load %arg10[%swap3A_607, %swap3A_608] {strides = array<i32>} : memref<208x64xf32, #tpu.memory_space<vmem>>, vector<1x16xf32>,
        %swap3A_610 = vector.shape_cast %swap3A_609 : vector<1x16xf32> to vector<16xf32>
        %swap3A_611 = vector.shape_cast %mul3A_606 : vector<16xf32> to vector<1x16xf32>
        tpu.vector_store %arg10[%swap3A_607, %swap3A_608], %swap3A_611 {strides = array<i32>} : memref<208x64xf32, #tpu.memory_space<vmem>>, vector<1x16xf32>,
        %get3A_612 = arith.index_cast %add3A_595 : i32 to index
        %get3A_613 = arith.constant 16 : index
        %get3A_614 = tpu.vector_load %arg10[%get3A_612, %get3A_613] {strides = array<i32>} : memref<208x64xf32, #tpu.memory_space<vmem>>, vector<1x16xf32>,
        %get3A_615 = vector.shape_cast %get3A_614 : vector<1x16xf32> to vector<16xf32>
        %get3A_616 = arith.index_cast %add3A_595 : i32 to index
        %get3A_617 = arith.constant 16 : index
        %get3A_618 = tpu.vector_load %arg9[%get3A_616, %get3A_617] {strides = array<i32>} : memref<208x64xf32, #tpu.memory_space<vmem>>, vector<1x16xf32>,
        %get3A_619 = vector.shape_cast %get3A_618 : vector<1x16xf32> to vector<16xf32>
        %add3A_620 = arith.addf %get3A_615, %get3A_619 : vector<16xf32>
        %mul3A_621 = vector.broadcast %squeeze3A_593 : f32 to vector<16xf32>
        %mul3A_622 = arith.mulf %add3A_620, %mul3A_621 : vector<16xf32>
        %swap3A_623 = arith.index_cast %add3A_595 : i32 to index
        %swap3A_624 = arith.constant 16 : index
        %swap3A_625 = tpu.vector_load %arg10[%swap3A_623, %swap3A_624] {strides = array<i32>} : memref<208x64xf32, #tpu.memory_space<vmem>>, vector<1x16xf32>,
        %swap3A_626 = vector.shape_cast %swap3A_625 : vector<1x16xf32> to vector<16xf32>
        %swap3A_627 = vector.shape_cast %mul3A_622 : vector<16xf32> to vector<1x16xf32>
        tpu.vector_store %arg10[%swap3A_623, %swap3A_624], %swap3A_627 {strides = array<i32>} : memref<208x64xf32, #tpu.memory_space<vmem>>, vector<1x16xf32>,
        %get3A_628 = arith.index_cast %add3A_595 : i32 to index
        %get3A_629 = arith.constant 32 : index
        %get3A_630 = tpu.vector_load %arg10[%get3A_628, %get3A_629] {strides = array<i32>} : memref<208x64xf32, #tpu.memory_space<vmem>>, vector<1x16xf32>,
        %get3A_631 = vector.shape_cast %get3A_630 : vector<1x16xf32> to vector<16xf32>
        %get3A_632 = arith.index_cast %add3A_595 : i32 to index
        %get3A_633 = arith.constant 32 : index
        %get3A_634 = tpu.vector_load %arg9[%get3A_632, %get3A_633] {strides = array<i32>} : memref<208x64xf32, #tpu.memory_space<vmem>>, vector<1x16xf32>,
        %get3A_635 = vector.shape_cast %get3A_634 : vector<1x16xf32> to vector<16xf32>
        %add3A_636 = arith.addf %get3A_631, %get3A_635 : vector<16xf32>
        %mul3A_637 = vector.broadcast %squeeze3A_593 : f32 to vector<16xf32>
        %mul3A_638 = arith.mulf %add3A_636, %mul3A_637 : vector<16xf32>
        %swap3A_639 = arith.index_cast %add3A_595 : i32 to index
        %swap3A_640 = arith.constant 32 : index
        %swap3A_641 = tpu.vector_load %arg10[%swap3A_639, %swap3A_640] {strides = array<i32>} : memref<208x64xf32, #tpu.memory_space<vmem>>, vector<1x16xf32>,
        %swap3A_642 = vector.shape_cast %swap3A_641 : vector<1x16xf32> to vector<16xf32>
        %swap3A_643 = vector.shape_cast %mul3A_638 : vector<16xf32> to vector<1x16xf32>
        tpu.vector_store %arg10[%swap3A_639, %swap3A_640], %swap3A_643 {strides = array<i32>} : memref<208x64xf32, #tpu.memory_space<vmem>>, vector<1x16xf32>,
        %get3A_644 = arith.index_cast %add3A_595 : i32 to index
        %get3A_645 = arith.constant 48 : index
        %get3A_646 = tpu.vector_load %arg10[%get3A_644, %get3A_645] {strides = array<i32>} : memref<208x64xf32, #tpu.memory_space<vmem>>, vector<1x16xf32>,
        %get3A_647 = vector.shape_cast %get3A_646 : vector<1x16xf32> to vector<16xf32>
        %get3A_648 = arith.index_cast %add3A_595 : i32 to index
        %get3A_649 = arith.constant 48 : index
        %get3A_650 = tpu.vector_load %arg9[%get3A_648, %get3A_649] {strides = array<i32>} : memref<208x64xf32, #tpu.memory_space<vmem>>, vector<1x16xf32>,
        %get3A_651 = vector.shape_cast %get3A_650 : vector<1x16xf32> to vector<16xf32>
        %add3A_652 = arith.addf %get3A_647, %get3A_651 : vector<16xf32>
        %mul3A_653 = vector.broadcast %squeeze3A_593 : f32 to vector<16xf32>
        %mul3A_654 = arith.mulf %add3A_652, %mul3A_653 : vector<16xf32>
        %swap3A_655 = arith.index_cast %add3A_595 : i32 to index
        %swap3A_656 = arith.constant 48 : index
        %swap3A_657 = tpu.vector_load %arg10[%swap3A_655, %swap3A_656] {strides = array<i32>} : memref<208x64xf32, #tpu.memory_space<vmem>>, vector<1x16xf32>,
        %swap3A_658 = vector.shape_cast %swap3A_657 : vector<1x16xf32> to vector<16xf32>
        %swap3A_659 = vector.shape_cast %mul3A_654 : vector<16xf32> to vector<1x16xf32>
        tpu.vector_store %arg10[%swap3A_655, %swap3A_656], %swap3A_659 {strides = array<i32>} : memref<208x64xf32, #tpu.memory_space<vmem>>, vector<1x16xf32>,
        %slice3A_660 = vector.extract_strided_slice %get3A_50 {offsets = [9], sizes = [1], strides = [1]} : vector<16xf32> to vector<1xf32>
        %squeeze3A_661 = vector.extract %slice3A_660[0] : f32 from vector<1xf32>
        %add3A_662 = arith.constant 9 : i32
        %add3A_663 = arith.addi %mul3A_48, %add3A_662 : i32
        %get3A_664 = arith.index_cast %add3A_663 : i32 to index
        %get3A_665 = arith.constant 0 : index
        %get3A_666 = tpu.vector_load %arg10[%get3A_664, %get3A_665] {strides = array<i32>} : memref<208x64xf32, #tpu.memory_space<vmem>>, vector<1x16xf32>,
        %get3A_667 = vector.shape_cast %get3A_666 : vector<1x16xf32> to vector<16xf32>
        %get3A_668 = arith.index_cast %add3A_663 : i32 to index
        %get3A_669 = arith.constant 0 : index
        %get3A_670 = tpu.vector_load %arg9[%get3A_668, %get3A_669] {strides = array<i32>} : memref<208x64xf32, #tpu.memory_space<vmem>>, vector<1x16xf32>,
        %get3A_671 = vector.shape_cast %get3A_670 : vector<1x16xf32> to vector<16xf32>
        %add3A_672 = arith.addf %get3A_667, %get3A_671 : vector<16xf32>
        %mul3A_673 = vector.broadcast %squeeze3A_661 : f32 to vector<16xf32>
        %mul3A_674 = arith.mulf %add3A_672, %mul3A_673 : vector<16xf32>
        %swap3A_675 = arith.index_cast %add3A_663 : i32 to index
        %swap3A_676 = arith.constant 0 : index
        %swap3A_677 = tpu.vector_load %arg10[%swap3A_675, %swap3A_676] {strides = array<i32>} : memref<208x64xf32, #tpu.memory_space<vmem>>, vector<1x16xf32>,
        %swap3A_678 = vector.shape_cast %swap3A_677 : vector<1x16xf32> to vector<16xf32>
        %swap3A_679 = vector.shape_cast %mul3A_674 : vector<16xf32> to vector<1x16xf32>
        tpu.vector_store %arg10[%swap3A_675, %swap3A_676], %swap3A_679 {strides = array<i32>} : memref<208x64xf32, #tpu.memory_space<vmem>>, vector<1x16xf32>,
        %get3A_680 = arith.index_cast %add3A_663 : i32 to index
        %get3A_681 = arith.constant 16 : index
        %get3A_682 = tpu.vector_load %arg10[%get3A_680, %get3A_681] {strides = array<i32>} : memref<208x64xf32, #tpu.memory_space<vmem>>, vector<1x16xf32>,
        %get3A_683 = vector.shape_cast %get3A_682 : vector<1x16xf32> to vector<16xf32>
        %get3A_684 = arith.index_cast %add3A_663 : i32 to index
        %get3A_685 = arith.constant 16 : index
        %get3A_686 = tpu.vector_load %arg9[%get3A_684, %get3A_685] {strides = array<i32>} : memref<208x64xf32, #tpu.memory_space<vmem>>, vector<1x16xf32>,
        %get3A_687 = vector.shape_cast %get3A_686 : vector<1x16xf32> to vector<16xf32>
        %add3A_688 = arith.addf %get3A_683, %get3A_687 : vector<16xf32>
        %mul3A_689 = vector.broadcast %squeeze3A_661 : f32 to vector<16xf32>
        %mul3A_690 = arith.mulf %add3A_688, %mul3A_689 : vector<16xf32>
        %swap3A_691 = arith.index_cast %add3A_663 : i32 to index
        %swap3A_692 = arith.constant 16 : index
        %swap3A_693 = tpu.vector_load %arg10[%swap3A_691, %swap3A_692] {strides = array<i32>} : memref<208x64xf32, #tpu.memory_space<vmem>>, vector<1x16xf32>,
        %swap3A_694 = vector.shape_cast %swap3A_693 : vector<1x16xf32> to vector<16xf32>
        %swap3A_695 = vector.shape_cast %mul3A_690 : vector<16xf32> to vector<1x16xf32>
        tpu.vector_store %arg10[%swap3A_691, %swap3A_692], %swap3A_695 {strides = array<i32>} : memref<208x64xf32, #tpu.memory_space<vmem>>, vector<1x16xf32>,
        %get3A_696 = arith.index_cast %add3A_663 : i32 to index
        %get3A_697 = arith.constant 32 : index
        %get3A_698 = tpu.vector_load %arg10[%get3A_696, %get3A_697] {strides = array<i32>} : memref<208x64xf32, #tpu.memory_space<vmem>>, vector<1x16xf32>,
        %get3A_699 = vector.shape_cast %get3A_698 : vector<1x16xf32> to vector<16xf32>
        %get3A_700 = arith.index_cast %add3A_663 : i32 to index
        %get3A_701 = arith.constant 32 : index
        %get3A_702 = tpu.vector_load %arg9[%get3A_700, %get3A_701] {strides = array<i32>} : memref<208x64xf32, #tpu.memory_space<vmem>>, vector<1x16xf32>,
        %get3A_703 = vector.shape_cast %get3A_702 : vector<1x16xf32> to vector<16xf32>
        %add3A_704 = arith.addf %get3A_699, %get3A_703 : vector<16xf32>
        %mul3A_705 = vector.broadcast %squeeze3A_661 : f32 to vector<16xf32>
        %mul3A_706 = arith.mulf %add3A_704, %mul3A_705 : vector<16xf32>
        %swap3A_707 = arith.index_cast %add3A_663 : i32 to index
        %swap3A_708 = arith.constant 32 : index
        %swap3A_709 = tpu.vector_load %arg10[%swap3A_707, %swap3A_708] {strides = array<i32>} : memref<208x64xf32, #tpu.memory_space<vmem>>, vector<1x16xf32>,
        %swap3A_710 = vector.shape_cast %swap3A_709 : vector<1x16xf32> to vector<16xf32>
        %swap3A_711 = vector.shape_cast %mul3A_706 : vector<16xf32> to vector<1x16xf32>
        tpu.vector_store %arg10[%swap3A_707, %swap3A_708], %swap3A_711 {strides = array<i32>} : memref<208x64xf32, #tpu.memory_space<vmem>>, vector<1x16xf32>,
        %get3A_712 = arith.index_cast %add3A_663 : i32 to index
        %get3A_713 = arith.constant 48 : index
        %get3A_714 = tpu.vector_load %arg10[%get3A_712, %get3A_713] {strides = array<i32>} : memref<208x64xf32, #tpu.memory_space<vmem>>, vector<1x16xf32>,
        %get3A_715 = vector.shape_cast %get3A_714 : vector<1x16xf32> to vector<16xf32>
        %get3A_716 = arith.index_cast %add3A_663 : i32 to index
        %get3A_717 = arith.constant 48 : index
        %get3A_718 = tpu.vector_load %arg9[%get3A_716, %get3A_717] {strides = array<i32>} : memref<208x64xf32, #tpu.memory_space<vmem>>, vector<1x16xf32>,
        %get3A_719 = vector.shape_cast %get3A_718 : vector<1x16xf32> to vector<16xf32>
        %add3A_720 = arith.addf %get3A_715, %get3A_719 : vector<16xf32>
        %mul3A_721 = vector.broadcast %squeeze3A_661 : f32 to vector<16xf32>
        %mul3A_722 = arith.mulf %add3A_720, %mul3A_721 : vector<16xf32>
        %swap3A_723 = arith.index_cast %add3A_663 : i32 to index
        %swap3A_724 = arith.constant 48 : index
        %swap3A_725 = tpu.vector_load %arg10[%swap3A_723, %swap3A_724] {strides = array<i32>} : memref<208x64xf32, #tpu.memory_space<vmem>>, vector<1x16xf32>,
        %swap3A_726 = vector.shape_cast %swap3A_725 : vector<1x16xf32> to vector<16xf32>
        %swap3A_727 = vector.shape_cast %mul3A_722 : vector<16xf32> to vector<1x16xf32>
        tpu.vector_store %arg10[%swap3A_723, %swap3A_724], %swap3A_727 {strides = array<i32>} : memref<208x64xf32, #tpu.memory_space<vmem>>, vector<1x16xf32>,
        %slice3A_728 = vector.extract_strided_slice %get3A_50 {offsets = [10], sizes = [1], strides = [1]} : vector<16xf32> to vector<1xf32>
        %squeeze3A_729 = vector.extract %slice3A_728[0] : f32 from vector<1xf32>
        %add3A_730 = arith.constant 10 : i32
        %add3A_731 = arith.addi %mul3A_48, %add3A_730 : i32
        %get3A_732 = arith.index_cast %add3A_731 : i32 to index
        %get3A_733 = arith.constant 0 : index
        %get3A_734 = tpu.vector_load %arg10[%get3A_732, %get3A_733] {strides = array<i32>} : memref<208x64xf32, #tpu.memory_space<vmem>>, vector<1x16xf32>,
        %get3A_735 = vector.shape_cast %get3A_734 : vector<1x16xf32> to vector<16xf32>
        %get3A_736 = arith.index_cast %add3A_731 : i32 to index
        %get3A_737 = arith.constant 0 : index
        %get3A_738 = tpu.vector_load %arg9[%get3A_736, %get3A_737] {strides = array<i32>} : memref<208x64xf32, #tpu.memory_space<vmem>>, vector<1x16xf32>,
        %get3A_739 = vector.shape_cast %get3A_738 : vector<1x16xf32> to vector<16xf32>
        %add3A_740 = arith.addf %get3A_735, %get3A_739 : vector<16xf32>
        %mul3A_741 = vector.broadcast %squeeze3A_729 : f32 to vector<16xf32>
        %mul3A_742 = arith.mulf %add3A_740, %mul3A_741 : vector<16xf32>
        %swap3A_743 = arith.index_cast %add3A_731 : i32 to index
        %swap3A_744 = arith.constant 0 : index
        %swap3A_745 = tpu.vector_load %arg10[%swap3A_743, %swap3A_744] {strides = array<i32>} : memref<208x64xf32, #tpu.memory_space<vmem>>, vector<1x16xf32>,
        %swap3A_746 = vector.shape_cast %swap3A_745 : vector<1x16xf32> to vector<16xf32>
        %swap3A_747 = vector.shape_cast %mul3A_742 : vector<16xf32> to vector<1x16xf32>
        tpu.vector_store %arg10[%swap3A_743, %swap3A_744], %swap3A_747 {strides = array<i32>} : memref<208x64xf32, #tpu.memory_space<vmem>>, vector<1x16xf32>,
        %get3A_748 = arith.index_cast %add3A_731 : i32 to index
        %get3A_749 = arith.constant 16 : index
        %get3A_750 = tpu.vector_load %arg10[%get3A_748, %get3A_749] {strides = array<i32>} : memref<208x64xf32, #tpu.memory_space<vmem>>, vector<1x16xf32>,
        %get3A_751 = vector.shape_cast %get3A_750 : vector<1x16xf32> to vector<16xf32>
        %get3A_752 = arith.index_cast %add3A_731 : i32 to index
        %get3A_753 = arith.constant 16 : index
        %get3A_754 = tpu.vector_load %arg9[%get3A_752, %get3A_753] {strides = array<i32>} : memref<208x64xf32, #tpu.memory_space<vmem>>, vector<1x16xf32>,
        %get3A_755 = vector.shape_cast %get3A_754 : vector<1x16xf32> to vector<16xf32>
        %add3A_756 = arith.addf %get3A_751, %get3A_755 : vector<16xf32>
        %mul3A_757 = vector.broadcast %squeeze3A_729 : f32 to vector<16xf32>
        %mul3A_758 = arith.mulf %add3A_756, %mul3A_757 : vector<16xf32>
        %swap3A_759 = arith.index_cast %add3A_731 : i32 to index
        %swap3A_760 = arith.constant 16 : index
        %swap3A_761 = tpu.vector_load %arg10[%swap3A_759, %swap3A_760] {strides = array<i32>} : memref<208x64xf32, #tpu.memory_space<vmem>>, vector<1x16xf32>,
        %swap3A_762 = vector.shape_cast %swap3A_761 : vector<1x16xf32> to vector<16xf32>
        %swap3A_763 = vector.shape_cast %mul3A_758 : vector<16xf32> to vector<1x16xf32>
        tpu.vector_store %arg10[%swap3A_759, %swap3A_760], %swap3A_763 {strides = array<i32>} : memref<208x64xf32, #tpu.memory_space<vmem>>, vector<1x16xf32>,
        %get3A_764 = arith.index_cast %add3A_731 : i32 to index
        %get3A_765 = arith.constant 32 : index
        %get3A_766 = tpu.vector_load %arg10[%get3A_764, %get3A_765] {strides = array<i32>} : memref<208x64xf32, #tpu.memory_space<vmem>>, vector<1x16xf32>,
        %get3A_767 = vector.shape_cast %get3A_766 : vector<1x16xf32> to vector<16xf32>
        %get3A_768 = arith.index_cast %add3A_731 : i32 to index
        %get3A_769 = arith.constant 32 : index
        %get3A_770 = tpu.vector_load %arg9[%get3A_768, %get3A_769] {strides = array<i32>} : memref<208x64xf32, #tpu.memory_space<vmem>>, vector<1x16xf32>,
        %get3A_771 = vector.shape_cast %get3A_770 : vector<1x16xf32> to vector<16xf32>
        %add3A_772 = arith.addf %get3A_767, %get3A_771 : vector<16xf32>
        %mul3A_773 = vector.broadcast %squeeze3A_729 : f32 to vector<16xf32>
        %mul3A_774 = arith.mulf %add3A_772, %mul3A_773 : vector<16xf32>
        %swap3A_775 = arith.index_cast %add3A_731 : i32 to index
        %swap3A_776 = arith.constant 32 : index
        %swap3A_777 = tpu.vector_load %arg10[%swap3A_775, %swap3A_776] {strides = array<i32>} : memref<208x64xf32, #tpu.memory_space<vmem>>, vector<1x16xf32>,
        %swap3A_778 = vector.shape_cast %swap3A_777 : vector<1x16xf32> to vector<16xf32>
        %swap3A_779 = vector.shape_cast %mul3A_774 : vector<16xf32> to vector<1x16xf32>
        tpu.vector_store %arg10[%swap3A_775, %swap3A_776], %swap3A_779 {strides = array<i32>} : memref<208x64xf32, #tpu.memory_space<vmem>>, vector<1x16xf32>,
        %get3A_780 = arith.index_cast %add3A_731 : i32 to index
        %get3A_781 = arith.constant 48 : index
        %get3A_782 = tpu.vector_load %arg10[%get3A_780, %get3A_781] {strides = array<i32>} : memref<208x64xf32, #tpu.memory_space<vmem>>, vector<1x16xf32>,
        %get3A_783 = vector.shape_cast %get3A_782 : vector<1x16xf32> to vector<16xf32>
        %get3A_784 = arith.index_cast %add3A_731 : i32 to index
        %get3A_785 = arith.constant 48 : index
        %get3A_786 = tpu.vector_load %arg9[%get3A_784, %get3A_785] {strides = array<i32>} : memref<208x64xf32, #tpu.memory_space<vmem>>, vector<1x16xf32>,
        %get3A_787 = vector.shape_cast %get3A_786 : vector<1x16xf32> to vector<16xf32>
        %add3A_788 = arith.addf %get3A_783, %get3A_787 : vector<16xf32>
        %mul3A_789 = vector.broadcast %squeeze3A_729 : f32 to vector<16xf32>
        %mul3A_790 = arith.mulf %add3A_788, %mul3A_789 : vector<16xf32>
        %swap3A_791 = arith.index_cast %add3A_731 : i32 to index
        %swap3A_792 = arith.constant 48 : index
        %swap3A_793 = tpu.vector_load %arg10[%swap3A_791, %swap3A_792] {strides = array<i32>} : memref<208x64xf32, #tpu.memory_space<vmem>>, vector<1x16xf32>,
        %swap3A_794 = vector.shape_cast %swap3A_793 : vector<1x16xf32> to vector<16xf32>
        %swap3A_795 = vector.shape_cast %mul3A_790 : vector<16xf32> to vector<1x16xf32>
        tpu.vector_store %arg10[%swap3A_791, %swap3A_792], %swap3A_795 {strides = array<i32>} : memref<208x64xf32, #tpu.memory_space<vmem>>, vector<1x16xf32>,
        %slice3A_796 = vector.extract_strided_slice %get3A_50 {offsets = [11], sizes = [1], strides = [1]} : vector<16xf32> to vector<1xf32>
        %squeeze3A_797 = vector.extract %slice3A_796[0] : f32 from vector<1xf32>
        %add3A_798 = arith.constant 11 : i32
        %add3A_799 = arith.addi %mul3A_48, %add3A_798 : i32
        %get3A_800 = arith.index_cast %add3A_799 : i32 to index
        %get3A_801 = arith.constant 0 : index
        %get3A_802 = tpu.vector_load %arg10[%get3A_800, %get3A_801] {strides = array<i32>} : memref<208x64xf32, #tpu.memory_space<vmem>>, vector<1x16xf32>,
        %get3A_803 = vector.shape_cast %get3A_802 : vector<1x16xf32> to vector<16xf32>
        %get3A_804 = arith.index_cast %add3A_799 : i32 to index
        %get3A_805 = arith.constant 0 : index
        %get3A_806 = tpu.vector_load %arg9[%get3A_804, %get3A_805] {strides = array<i32>} : memref<208x64xf32, #tpu.memory_space<vmem>>, vector<1x16xf32>,
        %get3A_807 = vector.shape_cast %get3A_806 : vector<1x16xf32> to vector<16xf32>
        %add3A_808 = arith.addf %get3A_803, %get3A_807 : vector<16xf32>
        %mul3A_809 = vector.broadcast %squeeze3A_797 : f32 to vector<16xf32>
        %mul3A_810 = arith.mulf %add3A_808, %mul3A_809 : vector<16xf32>
        %swap3A_811 = arith.index_cast %add3A_799 : i32 to index
        %swap3A_812 = arith.constant 0 : index
        %swap3A_813 = tpu.vector_load %arg10[%swap3A_811, %swap3A_812] {strides = array<i32>} : memref<208x64xf32, #tpu.memory_space<vmem>>, vector<1x16xf32>,
        %swap3A_814 = vector.shape_cast %swap3A_813 : vector<1x16xf32> to vector<16xf32>
        %swap3A_815 = vector.shape_cast %mul3A_810 : vector<16xf32> to vector<1x16xf32>
        tpu.vector_store %arg10[%swap3A_811, %swap3A_812], %swap3A_815 {strides = array<i32>} : memref<208x64xf32, #tpu.memory_space<vmem>>, vector<1x16xf32>,
        %get3A_816 = arith.index_cast %add3A_799 : i32 to index
        %get3A_817 = arith.constant 16 : index
        %get3A_818 = tpu.vector_load %arg10[%get3A_816, %get3A_817] {strides = array<i32>} : memref<208x64xf32, #tpu.memory_space<vmem>>, vector<1x16xf32>,
        %get3A_819 = vector.shape_cast %get3A_818 : vector<1x16xf32> to vector<16xf32>
        %get3A_820 = arith.index_cast %add3A_799 : i32 to index
        %get3A_821 = arith.constant 16 : index
        %get3A_822 = tpu.vector_load %arg9[%get3A_820, %get3A_821] {strides = array<i32>} : memref<208x64xf32, #tpu.memory_space<vmem>>, vector<1x16xf32>,
        %get3A_823 = vector.shape_cast %get3A_822 : vector<1x16xf32> to vector<16xf32>
        %add3A_824 = arith.addf %get3A_819, %get3A_823 : vector<16xf32>
        %mul3A_825 = vector.broadcast %squeeze3A_797 : f32 to vector<16xf32>
        %mul3A_826 = arith.mulf %add3A_824, %mul3A_825 : vector<16xf32>
        %swap3A_827 = arith.index_cast %add3A_799 : i32 to index
        %swap3A_828 = arith.constant 16 : index
        %swap3A_829 = tpu.vector_load %arg10[%swap3A_827, %swap3A_828] {strides = array<i32>} : memref<208x64xf32, #tpu.memory_space<vmem>>, vector<1x16xf32>,
        %swap3A_830 = vector.shape_cast %swap3A_829 : vector<1x16xf32> to vector<16xf32>
        %swap3A_831 = vector.shape_cast %mul3A_826 : vector<16xf32> to vector<1x16xf32>
        tpu.vector_store %arg10[%swap3A_827, %swap3A_828], %swap3A_831 {strides = array<i32>} : memref<208x64xf32, #tpu.memory_space<vmem>>, vector<1x16xf32>,
        %get3A_832 = arith.index_cast %add3A_799 : i32 to index
        %get3A_833 = arith.constant 32 : index
        %get3A_834 = tpu.vector_load %arg10[%get3A_832, %get3A_833] {strides = array<i32>} : memref<208x64xf32, #tpu.memory_space<vmem>>, vector<1x16xf32>,
        %get3A_835 = vector.shape_cast %get3A_834 : vector<1x16xf32> to vector<16xf32>
        %get3A_836 = arith.index_cast %add3A_799 : i32 to index
        %get3A_837 = arith.constant 32 : index
        %get3A_838 = tpu.vector_load %arg9[%get3A_836, %get3A_837] {strides = array<i32>} : memref<208x64xf32, #tpu.memory_space<vmem>>, vector<1x16xf32>,
        %get3A_839 = vector.shape_cast %get3A_838 : vector<1x16xf32> to vector<16xf32>
        %add3A_840 = arith.addf %get3A_835, %get3A_839 : vector<16xf32>
        %mul3A_841 = vector.broadcast %squeeze3A_797 : f32 to vector<16xf32>
        %mul3A_842 = arith.mulf %add3A_840, %mul3A_841 : vector<16xf32>
        %swap3A_843 = arith.index_cast %add3A_799 : i32 to index
        %swap3A_844 = arith.constant 32 : index
        %swap3A_845 = tpu.vector_load %arg10[%swap3A_843, %swap3A_844] {strides = array<i32>} : memref<208x64xf32, #tpu.memory_space<vmem>>, vector<1x16xf32>,
        %swap3A_846 = vector.shape_cast %swap3A_845 : vector<1x16xf32> to vector<16xf32>
        %swap3A_847 = vector.shape_cast %mul3A_842 : vector<16xf32> to vector<1x16xf32>
        tpu.vector_store %arg10[%swap3A_843, %swap3A_844], %swap3A_847 {strides = array<i32>} : memref<208x64xf32, #tpu.memory_space<vmem>>, vector<1x16xf32>,
        %get3A_848 = arith.index_cast %add3A_799 : i32 to index
        %get3A_849 = arith.constant 48 : index
        %get3A_850 = tpu.vector_load %arg10[%get3A_848, %get3A_849] {strides = array<i32>} : memref<208x64xf32, #tpu.memory_space<vmem>>, vector<1x16xf32>,
        %get3A_851 = vector.shape_cast %get3A_850 : vector<1x16xf32> to vector<16xf32>
        %get3A_852 = arith.index_cast %add3A_799 : i32 to index
        %get3A_853 = arith.constant 48 : index
        %get3A_854 = tpu.vector_load %arg9[%get3A_852, %get3A_853] {strides = array<i32>} : memref<208x64xf32, #tpu.memory_space<vmem>>, vector<1x16xf32>,
        %get3A_855 = vector.shape_cast %get3A_854 : vector<1x16xf32> to vector<16xf32>
        %add3A_856 = arith.addf %get3A_851, %get3A_855 : vector<16xf32>
        %mul3A_857 = vector.broadcast %squeeze3A_797 : f32 to vector<16xf32>
        %mul3A_858 = arith.mulf %add3A_856, %mul3A_857 : vector<16xf32>
        %swap3A_859 = arith.index_cast %add3A_799 : i32 to index
        %swap3A_860 = arith.constant 48 : index
        %swap3A_861 = tpu.vector_load %arg10[%swap3A_859, %swap3A_860] {strides = array<i32>} : memref<208x64xf32, #tpu.memory_space<vmem>>, vector<1x16xf32>,
        %swap3A_862 = vector.shape_cast %swap3A_861 : vector<1x16xf32> to vector<16xf32>
        %swap3A_863 = vector.shape_cast %mul3A_858 : vector<16xf32> to vector<1x16xf32>
        tpu.vector_store %arg10[%swap3A_859, %swap3A_860], %swap3A_863 {strides = array<i32>} : memref<208x64xf32, #tpu.memory_space<vmem>>, vector<1x16xf32>,
        %slice3A_864 = vector.extract_strided_slice %get3A_50 {offsets = [12], sizes = [1], strides = [1]} : vector<16xf32> to vector<1xf32>
        %squeeze3A_865 = vector.extract %slice3A_864[0] : f32 from vector<1xf32>
        %add3A_866 = arith.constant 12 : i32
        %add3A_867 = arith.addi %mul3A_48, %add3A_866 : i32
        %get3A_868 = arith.index_cast %add3A_867 : i32 to index
        %get3A_869 = arith.constant 0 : index
        %get3A_870 = tpu.vector_load %arg10[%get3A_868, %get3A_869] {strides = array<i32>} : memref<208x64xf32, #tpu.memory_space<vmem>>, vector<1x16xf32>,
        %get3A_871 = vector.shape_cast %get3A_870 : vector<1x16xf32> to vector<16xf32>
        %get3A_872 = arith.index_cast %add3A_867 : i32 to index
        %get3A_873 = arith.constant 0 : index
        %get3A_874 = tpu.vector_load %arg9[%get3A_872, %get3A_873] {strides = array<i32>} : memref<208x64xf32, #tpu.memory_space<vmem>>, vector<1x16xf32>,
        %get3A_875 = vector.shape_cast %get3A_874 : vector<1x16xf32> to vector<16xf32>
        %add3A_876 = arith.addf %get3A_871, %get3A_875 : vector<16xf32>
        %mul3A_877 = vector.broadcast %squeeze3A_865 : f32 to vector<16xf32>
        %mul3A_878 = arith.mulf %add3A_876, %mul3A_877 : vector<16xf32>
        %swap3A_879 = arith.index_cast %add3A_867 : i32 to index
        %swap3A_880 = arith.constant 0 : index
        %swap3A_881 = tpu.vector_load %arg10[%swap3A_879, %swap3A_880] {strides = array<i32>} : memref<208x64xf32, #tpu.memory_space<vmem>>, vector<1x16xf32>,
        %swap3A_882 = vector.shape_cast %swap3A_881 : vector<1x16xf32> to vector<16xf32>
        %swap3A_883 = vector.shape_cast %mul3A_878 : vector<16xf32> to vector<1x16xf32>
        tpu.vector_store %arg10[%swap3A_879, %swap3A_880], %swap3A_883 {strides = array<i32>} : memref<208x64xf32, #tpu.memory_space<vmem>>, vector<1x16xf32>,
        %get3A_884 = arith.index_cast %add3A_867 : i32 to index
        %get3A_885 = arith.constant 16 : index
        %get3A_886 = tpu.vector_load %arg10[%get3A_884, %get3A_885] {strides = array<i32>} : memref<208x64xf32, #tpu.memory_space<vmem>>, vector<1x16xf32>,
        %get3A_887 = vector.shape_cast %get3A_886 : vector<1x16xf32> to vector<16xf32>
        %get3A_888 = arith.index_cast %add3A_867 : i32 to index
        %get3A_889 = arith.constant 16 : index
        %get3A_890 = tpu.vector_load %arg9[%get3A_888, %get3A_889] {strides = array<i32>} : memref<208x64xf32, #tpu.memory_space<vmem>>, vector<1x16xf32>,
        %get3A_891 = vector.shape_cast %get3A_890 : vector<1x16xf32> to vector<16xf32>
        %add3A_892 = arith.addf %get3A_887, %get3A_891 : vector<16xf32>
        %mul3A_893 = vector.broadcast %squeeze3A_865 : f32 to vector<16xf32>
        %mul3A_894 = arith.mulf %add3A_892, %mul3A_893 : vector<16xf32>
        %swap3A_895 = arith.index_cast %add3A_867 : i32 to index
        %swap3A_896 = arith.constant 16 : index
        %swap3A_897 = tpu.vector_load %arg10[%swap3A_895, %swap3A_896] {strides = array<i32>} : memref<208x64xf32, #tpu.memory_space<vmem>>, vector<1x16xf32>,
        %swap3A_898 = vector.shape_cast %swap3A_897 : vector<1x16xf32> to vector<16xf32>
        %swap3A_899 = vector.shape_cast %mul3A_894 : vector<16xf32> to vector<1x16xf32>
        tpu.vector_store %arg10[%swap3A_895, %swap3A_896], %swap3A_899 {strides = array<i32>} : memref<208x64xf32, #tpu.memory_space<vmem>>, vector<1x16xf32>,
        %get3A_900 = arith.index_cast %add3A_867 : i32 to index
        %get3A_901 = arith.constant 32 : index
        %get3A_902 = tpu.vector_load %arg10[%get3A_900, %get3A_901] {strides = array<i32>} : memref<208x64xf32, #tpu.memory_space<vmem>>, vector<1x16xf32>,
        %get3A_903 = vector.shape_cast %get3A_902 : vector<1x16xf32> to vector<16xf32>
        %get3A_904 = arith.index_cast %add3A_867 : i32 to index
        %get3A_905 = arith.constant 32 : index
        %get3A_906 = tpu.vector_load %arg9[%get3A_904, %get3A_905] {strides = array<i32>} : memref<208x64xf32, #tpu.memory_space<vmem>>, vector<1x16xf32>,
        %get3A_907 = vector.shape_cast %get3A_906 : vector<1x16xf32> to vector<16xf32>
        %add3A_908 = arith.addf %get3A_903, %get3A_907 : vector<16xf32>
        %mul3A_909 = vector.broadcast %squeeze3A_865 : f32 to vector<16xf32>
        %mul3A_910 = arith.mulf %add3A_908, %mul3A_909 : vector<16xf32>
        %swap3A_911 = arith.index_cast %add3A_867 : i32 to index
        %swap3A_912 = arith.constant 32 : index
        %swap3A_913 = tpu.vector_load %arg10[%swap3A_911, %swap3A_912] {strides = array<i32>} : memref<208x64xf32, #tpu.memory_space<vmem>>, vector<1x16xf32>,
        %swap3A_914 = vector.shape_cast %swap3A_913 : vector<1x16xf32> to vector<16xf32>
        %swap3A_915 = vector.shape_cast %mul3A_910 : vector<16xf32> to vector<1x16xf32>
        tpu.vector_store %arg10[%swap3A_911, %swap3A_912], %swap3A_915 {strides = array<i32>} : memref<208x64xf32, #tpu.memory_space<vmem>>, vector<1x16xf32>,
        %get3A_916 = arith.index_cast %add3A_867 : i32 to index
        %get3A_917 = arith.constant 48 : index
        %get3A_918 = tpu.vector_load %arg10[%get3A_916, %get3A_917] {strides = array<i32>} : memref<208x64xf32, #tpu.memory_space<vmem>>, vector<1x16xf32>,
        %get3A_919 = vector.shape_cast %get3A_918 : vector<1x16xf32> to vector<16xf32>
        %get3A_920 = arith.index_cast %add3A_867 : i32 to index
        %get3A_921 = arith.constant 48 : index
        %get3A_922 = tpu.vector_load %arg9[%get3A_920, %get3A_921] {strides = array<i32>} : memref<208x64xf32, #tpu.memory_space<vmem>>, vector<1x16xf32>,
        %get3A_923 = vector.shape_cast %get3A_922 : vector<1x16xf32> to vector<16xf32>
        %add3A_924 = arith.addf %get3A_919, %get3A_923 : vector<16xf32>
        %mul3A_925 = vector.broadcast %squeeze3A_865 : f32 to vector<16xf32>
        %mul3A_926 = arith.mulf %add3A_924, %mul3A_925 : vector<16xf32>
        %swap3A_927 = arith.index_cast %add3A_867 : i32 to index
        %swap3A_928 = arith.constant 48 : index
        %swap3A_929 = tpu.vector_load %arg10[%swap3A_927, %swap3A_928] {strides = array<i32>} : memref<208x64xf32, #tpu.memory_space<vmem>>, vector<1x16xf32>,
        %swap3A_930 = vector.shape_cast %swap3A_929 : vector<1x16xf32> to vector<16xf32>
        %swap3A_931 = vector.shape_cast %mul3A_926 : vector<16xf32> to vector<1x16xf32>
        tpu.vector_store %arg10[%swap3A_927, %swap3A_928], %swap3A_931 {strides = array<i32>} : memref<208x64xf32, #tpu.memory_space<vmem>>, vector<1x16xf32>,
        %slice3A_932 = vector.extract_strided_slice %get3A_50 {offsets = [13], sizes = [1], strides = [1]} : vector<16xf32> to vector<1xf32>
        %squeeze3A_933 = vector.extract %slice3A_932[0] : f32 from vector<1xf32>
        %add3A_934 = arith.constant 13 : i32
        %add3A_935 = arith.addi %mul3A_48, %add3A_934 : i32
        %get3A_936 = arith.index_cast %add3A_935 : i32 to index
        %get3A_937 = arith.constant 0 : index
        %get3A_938 = tpu.vector_load %arg10[%get3A_936, %get3A_937] {strides = array<i32>} : memref<208x64xf32, #tpu.memory_space<vmem>>, vector<1x16xf32>,
        %get3A_939 = vector.shape_cast %get3A_938 : vector<1x16xf32> to vector<16xf32>
        %get3A_940 = arith.index_cast %add3A_935 : i32 to index
        %get3A_941 = arith.constant 0 : index
        %get3A_942 = tpu.vector_load %arg9[%get3A_940, %get3A_941] {strides = array<i32>} : memref<208x64xf32, #tpu.memory_space<vmem>>, vector<1x16xf32>,
        %get3A_943 = vector.shape_cast %get3A_942 : vector<1x16xf32> to vector<16xf32>
        %add3A_944 = arith.addf %get3A_939, %get3A_943 : vector<16xf32>
        %mul3A_945 = vector.broadcast %squeeze3A_933 : f32 to vector<16xf32>
        %mul3A_946 = arith.mulf %add3A_944, %mul3A_945 : vector<16xf32>
        %swap3A_947 = arith.index_cast %add3A_935 : i32 to index
        %swap3A_948 = arith.constant 0 : index
        %swap3A_949 = tpu.vector_load %arg10[%swap3A_947, %swap3A_948] {strides = array<i32>} : memref<208x64xf32, #tpu.memory_space<vmem>>, vector<1x16xf32>,
        %swap3A_950 = vector.shape_cast %swap3A_949 : vector<1x16xf32> to vector<16xf32>
        %swap3A_951 = vector.shape_cast %mul3A_946 : vector<16xf32> to vector<1x16xf32>
        tpu.vector_store %arg10[%swap3A_947, %swap3A_948], %swap3A_951 {strides = array<i32>} : memref<208x64xf32, #tpu.memory_space<vmem>>, vector<1x16xf32>,
        %get3A_952 = arith.index_cast %add3A_935 : i32 to index
        %get3A_953 = arith.constant 16 : index
        %get3A_954 = tpu.vector_load %arg10[%get3A_952, %get3A_953] {strides = array<i32>} : memref<208x64xf32, #tpu.memory_space<vmem>>, vector<1x16xf32>,
        %get3A_955 = vector.shape_cast %get3A_954 : vector<1x16xf32> to vector<16xf32>
        %get3A_956 = arith.index_cast %add3A_935 : i32 to index
        %get3A_957 = arith.constant 16 : index
        %get3A_958 = tpu.vector_load %arg9[%get3A_956, %get3A_957] {strides = array<i32>} : memref<208x64xf32, #tpu.memory_space<vmem>>, vector<1x16xf32>,
        %get3A_959 = vector.shape_cast %get3A_958 : vector<1x16xf32> to vector<16xf32>
        %add3A_960 = arith.addf %get3A_955, %get3A_959 : vector<16xf32>
        %mul3A_961 = vector.broadcast %squeeze3A_933 : f32 to vector<16xf32>
        %mul3A_962 = arith.mulf %add3A_960, %mul3A_961 : vector<16xf32>
        %swap3A_963 = arith.index_cast %add3A_935 : i32 to index
        %swap3A_964 = arith.constant 16 : index
        %swap3A_965 = tpu.vector_load %arg10[%swap3A_963, %swap3A_964] {strides = array<i32>} : memref<208x64xf32, #tpu.memory_space<vmem>>, vector<1x16xf32>,
        %swap3A_966 = vector.shape_cast %swap3A_965 : vector<1x16xf32> to vector<16xf32>
        %swap3A_967 = vector.shape_cast %mul3A_962 : vector<16xf32> to vector<1x16xf32>
        tpu.vector_store %arg10[%swap3A_963, %swap3A_964], %swap3A_967 {strides = array<i32>} : memref<208x64xf32, #tpu.memory_space<vmem>>, vector<1x16xf32>,
        %get3A_968 = arith.index_cast %add3A_935 : i32 to index
        %get3A_969 = arith.constant 32 : index
        %get3A_970 = tpu.vector_load %arg10[%get3A_968, %get3A_969] {strides = array<i32>} : memref<208x64xf32, #tpu.memory_space<vmem>>, vector<1x16xf32>,
        %get3A_971 = vector.shape_cast %get3A_970 : vector<1x16xf32> to vector<16xf32>
        %get3A_972 = arith.index_cast %add3A_935 : i32 to index
        %get3A_973 = arith.constant 32 : index
        %get3A_974 = tpu.vector_load %arg9[%get3A_972, %get3A_973] {strides = array<i32>} : memref<208x64xf32, #tpu.memory_space<vmem>>, vector<1x16xf32>,
        %get3A_975 = vector.shape_cast %get3A_974 : vector<1x16xf32> to vector<16xf32>
        %add3A_976 = arith.addf %get3A_971, %get3A_975 : vector<16xf32>
        %mul3A_977 = vector.broadcast %squeeze3A_933 : f32 to vector<16xf32>
        %mul3A_978 = arith.mulf %add3A_976, %mul3A_977 : vector<16xf32>
        %swap3A_979 = arith.index_cast %add3A_935 : i32 to index
        %swap3A_980 = arith.constant 32 : index
        %swap3A_981 = tpu.vector_load %arg10[%swap3A_979, %swap3A_980] {strides = array<i32>} : memref<208x64xf32, #tpu.memory_space<vmem>>, vector<1x16xf32>,
        %swap3A_982 = vector.shape_cast %swap3A_981 : vector<1x16xf32> to vector<16xf32>
        %swap3A_983 = vector.shape_cast %mul3A_978 : vector<16xf32> to vector<1x16xf32>
        tpu.vector_store %arg10[%swap3A_979, %swap3A_980], %swap3A_983 {strides = array<i32>} : memref<208x64xf32, #tpu.memory_space<vmem>>, vector<1x16xf32>,
        %get3A_984 = arith.index_cast %add3A_935 : i32 to index
        %get3A_985 = arith.constant 48 : index
        %get3A_986 = tpu.vector_load %arg10[%get3A_984, %get3A_985] {strides = array<i32>} : memref<208x64xf32, #tpu.memory_space<vmem>>, vector<1x16xf32>,
        %get3A_987 = vector.shape_cast %get3A_986 : vector<1x16xf32> to vector<16xf32>
        %get3A_988 = arith.index_cast %add3A_935 : i32 to index
        %get3A_989 = arith.constant 48 : index
        %get3A_990 = tpu.vector_load %arg9[%get3A_988, %get3A_989] {strides = array<i32>} : memref<208x64xf32, #tpu.memory_space<vmem>>, vector<1x16xf32>,
        %get3A_991 = vector.shape_cast %get3A_990 : vector<1x16xf32> to vector<16xf32>
        %add3A_992 = arith.addf %get3A_987, %get3A_991 : vector<16xf32>
        %mul3A_993 = vector.broadcast %squeeze3A_933 : f32 to vector<16xf32>
        %mul3A_994 = arith.mulf %add3A_992, %mul3A_993 : vector<16xf32>
        %swap3A_995 = arith.index_cast %add3A_935 : i32 to index
        %swap3A_996 = arith.constant 48 : index
        %swap3A_997 = tpu.vector_load %arg10[%swap3A_995, %swap3A_996] {strides = array<i32>} : memref<208x64xf32, #tpu.memory_space<vmem>>, vector<1x16xf32>,
        %swap3A_998 = vector.shape_cast %swap3A_997 : vector<1x16xf32> to vector<16xf32>
        %swap3A_999 = vector.shape_cast %mul3A_994 : vector<16xf32> to vector<1x16xf32>
        tpu.vector_store %arg10[%swap3A_995, %swap3A_996], %swap3A_999 {strides = array<i32>} : memref<208x64xf32, #tpu.memory_space<vmem>>, vector<1x16xf32>,
        %slice3A_1000 = vector.extract_strided_slice %get3A_50 {offsets = [14], sizes = [1], strides = [1]} : vector<16xf32> to vector<1xf32>
        %squeeze3A_1001 = vector.extract %slice3A_1000[0] : f32 from vector<1xf32>
        %add3A_1002 = arith.constant 14 : i32
        %add3A_1003 = arith.addi %mul3A_48, %add3A_1002 : i32
        %get3A_1004 = arith.index_cast %add3A_1003 : i32 to index
        %get3A_1005 = arith.constant 0 : index
        %get3A_1006 = tpu.vector_load %arg10[%get3A_1004, %get3A_1005] {strides = array<i32>} : memref<208x64xf32, #tpu.memory_space<vmem>>, vector<1x16xf32>,
        %get3A_1007 = vector.shape_cast %get3A_1006 : vector<1x16xf32> to vector<16xf32>
        %get3A_1008 = arith.index_cast %add3A_1003 : i32 to index
        %get3A_1009 = arith.constant 0 : index
        %get3A_1010 = tpu.vector_load %arg9[%get3A_1008, %get3A_1009] {strides = array<i32>} : memref<208x64xf32, #tpu.memory_space<vmem>>, vector<1x16xf32>,
        %get3A_1011 = vector.shape_cast %get3A_1010 : vector<1x16xf32> to vector<16xf32>
        %add3A_1012 = arith.addf %get3A_1007, %get3A_1011 : vector<16xf32>
        %mul3A_1013 = vector.broadcast %squeeze3A_1001 : f32 to vector<16xf32>
        %mul3A_1014 = arith.mulf %add3A_1012, %mul3A_1013 : vector<16xf32>
        %swap3A_1015 = arith.index_cast %add3A_1003 : i32 to index
        %swap3A_1016 = arith.constant 0 : index
        %swap3A_1017 = tpu.vector_load %arg10[%swap3A_1015, %swap3A_1016] {strides = array<i32>} : memref<208x64xf32, #tpu.memory_space<vmem>>, vector<1x16xf32>,
        %swap3A_1018 = vector.shape_cast %swap3A_1017 : vector<1x16xf32> to vector<16xf32>
        %swap3A_1019 = vector.shape_cast %mul3A_1014 : vector<16xf32> to vector<1x16xf32>
        tpu.vector_store %arg10[%swap3A_1015, %swap3A_1016], %swap3A_1019 {strides = array<i32>} : memref<208x64xf32, #tpu.memory_space<vmem>>, vector<1x16xf32>,
        %get3A_1020 = arith.index_cast %add3A_1003 : i32 to index
        %get3A_1021 = arith.constant 16 : index
        %get3A_1022 = tpu.vector_load %arg10[%get3A_1020, %get3A_1021] {strides = array<i32>} : memref<208x64xf32, #tpu.memory_space<vmem>>, vector<1x16xf32>,
        %get3A_1023 = vector.shape_cast %get3A_1022 : vector<1x16xf32> to vector<16xf32>
        %get3A_1024 = arith.index_cast %add3A_1003 : i32 to index
        %get3A_1025 = arith.constant 16 : index
        %get3A_1026 = tpu.vector_load %arg9[%get3A_1024, %get3A_1025] {strides = array<i32>} : memref<208x64xf32, #tpu.memory_space<vmem>>, vector<1x16xf32>,
        %get3A_1027 = vector.shape_cast %get3A_1026 : vector<1x16xf32> to vector<16xf32>
        %add3A_1028 = arith.addf %get3A_1023, %get3A_1027 : vector<16xf32>
        %mul3A_1029 = vector.broadcast %squeeze3A_1001 : f32 to vector<16xf32>
        %mul3A_1030 = arith.mulf %add3A_1028, %mul3A_1029 : vector<16xf32>
        %swap3A_1031 = arith.index_cast %add3A_1003 : i32 to index
        %swap3A_1032 = arith.constant 16 : index
        %swap3A_1033 = tpu.vector_load %arg10[%swap3A_1031, %swap3A_1032] {strides = array<i32>} : memref<208x64xf32, #tpu.memory_space<vmem>>, vector<1x16xf32>,
        %swap3A_1034 = vector.shape_cast %swap3A_1033 : vector<1x16xf32> to vector<16xf32>
        %swap3A_1035 = vector.shape_cast %mul3A_1030 : vector<16xf32> to vector<1x16xf32>
        tpu.vector_store %arg10[%swap3A_1031, %swap3A_1032], %swap3A_1035 {strides = array<i32>} : memref<208x64xf32, #tpu.memory_space<vmem>>, vector<1x16xf32>,
        %get3A_1036 = arith.index_cast %add3A_1003 : i32 to index
        %get3A_1037 = arith.constant 32 : index
        %get3A_1038 = tpu.vector_load %arg10[%get3A_1036, %get3A_1037] {strides = array<i32>} : memref<208x64xf32, #tpu.memory_space<vmem>>, vector<1x16xf32>,
        %get3A_1039 = vector.shape_cast %get3A_1038 : vector<1x16xf32> to vector<16xf32>
        %get3A_1040 = arith.index_cast %add3A_1003 : i32 to index
        %get3A_1041 = arith.constant 32 : index
        %get3A_1042 = tpu.vector_load %arg9[%get3A_1040, %get3A_1041] {strides = array<i32>} : memref<208x64xf32, #tpu.memory_space<vmem>>, vector<1x16xf32>,
        %get3A_1043 = vector.shape_cast %get3A_1042 : vector<1x16xf32> to vector<16xf32>
        %add3A_1044 = arith.addf %get3A_1039, %get3A_1043 : vector<16xf32>
        %mul3A_1045 = vector.broadcast %squeeze3A_1001 : f32 to vector<16xf32>
        %mul3A_1046 = arith.mulf %add3A_1044, %mul3A_1045 : vector<16xf32>
        %swap3A_1047 = arith.index_cast %add3A_1003 : i32 to index
        %swap3A_1048 = arith.constant 32 : index
        %swap3A_1049 = tpu.vector_load %arg10[%swap3A_1047, %swap3A_1048] {strides = array<i32>} : memref<208x64xf32, #tpu.memory_space<vmem>>, vector<1x16xf32>,
        %swap3A_1050 = vector.shape_cast %swap3A_1049 : vector<1x16xf32> to vector<16xf32>
        %swap3A_1051 = vector.shape_cast %mul3A_1046 : vector<16xf32> to vector<1x16xf32>
        tpu.vector_store %arg10[%swap3A_1047, %swap3A_1048], %swap3A_1051 {strides = array<i32>} : memref<208x64xf32, #tpu.memory_space<vmem>>, vector<1x16xf32>,
        %get3A_1052 = arith.index_cast %add3A_1003 : i32 to index
        %get3A_1053 = arith.constant 48 : index
        %get3A_1054 = tpu.vector_load %arg10[%get3A_1052, %get3A_1053] {strides = array<i32>} : memref<208x64xf32, #tpu.memory_space<vmem>>, vector<1x16xf32>,
        %get3A_1055 = vector.shape_cast %get3A_1054 : vector<1x16xf32> to vector<16xf32>
        %get3A_1056 = arith.index_cast %add3A_1003 : i32 to index
        %get3A_1057 = arith.constant 48 : index
        %get3A_1058 = tpu.vector_load %arg9[%get3A_1056, %get3A_1057] {strides = array<i32>} : memref<208x64xf32, #tpu.memory_space<vmem>>, vector<1x16xf32>,
        %get3A_1059 = vector.shape_cast %get3A_1058 : vector<1x16xf32> to vector<16xf32>
        %add3A_1060 = arith.addf %get3A_1055, %get3A_1059 : vector<16xf32>
        %mul3A_1061 = vector.broadcast %squeeze3A_1001 : f32 to vector<16xf32>
        %mul3A_1062 = arith.mulf %add3A_1060, %mul3A_1061 : vector<16xf32>
        %swap3A_1063 = arith.index_cast %add3A_1003 : i32 to index
        %swap3A_1064 = arith.constant 48 : index
        %swap3A_1065 = tpu.vector_load %arg10[%swap3A_1063, %swap3A_1064] {strides = array<i32>} : memref<208x64xf32, #tpu.memory_space<vmem>>, vector<1x16xf32>,
        %swap3A_1066 = vector.shape_cast %swap3A_1065 : vector<1x16xf32> to vector<16xf32>
        %swap3A_1067 = vector.shape_cast %mul3A_1062 : vector<16xf32> to vector<1x16xf32>
        tpu.vector_store %arg10[%swap3A_1063, %swap3A_1064], %swap3A_1067 {strides = array<i32>} : memref<208x64xf32, #tpu.memory_space<vmem>>, vector<1x16xf32>,
        %slice3A_1068 = vector.extract_strided_slice %get3A_50 {offsets = [15], sizes = [1], strides = [1]} : vector<16xf32> to vector<1xf32>
        %squeeze3A_1069 = vector.extract %slice3A_1068[0] : f32 from vector<1xf32>
        %add3A_1070 = arith.constant 15 : i32
        %add3A_1071 = arith.addi %mul3A_48, %add3A_1070 : i32
        %get3A_1072 = arith.index_cast %add3A_1071 : i32 to index
        %get3A_1073 = arith.constant 0 : index
        %get3A_1074 = tpu.vector_load %arg10[%get3A_1072, %get3A_1073] {strides = array<i32>} : memref<208x64xf32, #tpu.memory_space<vmem>>, vector<1x16xf32>,
        %get3A_1075 = vector.shape_cast %get3A_1074 : vector<1x16xf32> to vector<16xf32>
        %get3A_1076 = arith.index_cast %add3A_1071 : i32 to index
        %get3A_1077 = arith.constant 0 : index
        %get3A_1078 = tpu.vector_load %arg9[%get3A_1076, %get3A_1077] {strides = array<i32>} : memref<208x64xf32, #tpu.memory_space<vmem>>, vector<1x16xf32>,
        %get3A_1079 = vector.shape_cast %get3A_1078 : vector<1x16xf32> to vector<16xf32>
        %add3A_1080 = arith.addf %get3A_1075, %get3A_1079 : vector<16xf32>
        %mul3A_1081 = vector.broadcast %squeeze3A_1069 : f32 to vector<16xf32>
        %mul3A_1082 = arith.mulf %add3A_1080, %mul3A_1081 : vector<16xf32>
        %swap3A_1083 = arith.index_cast %add3A_1071 : i32 to index
        %swap3A_1084 = arith.constant 0 : index
        %swap3A_1085 = tpu.vector_load %arg10[%swap3A_1083, %swap3A_1084] {strides = array<i32>} : memref<208x64xf32, #tpu.memory_space<vmem>>, vector<1x16xf32>,
        %swap3A_1086 = vector.shape_cast %swap3A_1085 : vector<1x16xf32> to vector<16xf32>
        %swap3A_1087 = vector.shape_cast %mul3A_1082 : vector<16xf32> to vector<1x16xf32>
        tpu.vector_store %arg10[%swap3A_1083, %swap3A_1084], %swap3A_1087 {strides = array<i32>} : memref<208x64xf32, #tpu.memory_space<vmem>>, vector<1x16xf32>,
        %get3A_1088 = arith.index_cast %add3A_1071 : i32 to index
        %get3A_1089 = arith.constant 16 : index
        %get3A_1090 = tpu.vector_load %arg10[%get3A_1088, %get3A_1089] {strides = array<i32>} : memref<208x64xf32, #tpu.memory_space<vmem>>, vector<1x16xf32>,
        %get3A_1091 = vector.shape_cast %get3A_1090 : vector<1x16xf32> to vector<16xf32>
        %get3A_1092 = arith.index_cast %add3A_1071 : i32 to index
        %get3A_1093 = arith.constant 16 : index
        %get3A_1094 = tpu.vector_load %arg9[%get3A_1092, %get3A_1093] {strides = array<i32>} : memref<208x64xf32, #tpu.memory_space<vmem>>, vector<1x16xf32>,
        %get3A_1095 = vector.shape_cast %get3A_1094 : vector<1x16xf32> to vector<16xf32>
        %add3A_1096 = arith.addf %get3A_1091, %get3A_1095 : vector<16xf32>
        %mul3A_1097 = vector.broadcast %squeeze3A_1069 : f32 to vector<16xf32>
        %mul3A_1098 = arith.mulf %add3A_1096, %mul3A_1097 : vector<16xf32>
        %swap3A_1099 = arith.index_cast %add3A_1071 : i32 to index
        %swap3A_1100 = arith.constant 16 : index
        %swap3A_1101 = tpu.vector_load %arg10[%swap3A_1099, %swap3A_1100] {strides = array<i32>} : memref<208x64xf32, #tpu.memory_space<vmem>>, vector<1x16xf32>,
        %swap3A_1102 = vector.shape_cast %swap3A_1101 : vector<1x16xf32> to vector<16xf32>
        %swap3A_1103 = vector.shape_cast %mul3A_1098 : vector<16xf32> to vector<1x16xf32>
        tpu.vector_store %arg10[%swap3A_1099, %swap3A_1100], %swap3A_1103 {strides = array<i32>} : memref<208x64xf32, #tpu.memory_space<vmem>>, vector<1x16xf32>,
        %get3A_1104 = arith.index_cast %add3A_1071 : i32 to index
        %get3A_1105 = arith.constant 32 : index
        %get3A_1106 = tpu.vector_load %arg10[%get3A_1104, %get3A_1105] {strides = array<i32>} : memref<208x64xf32, #tpu.memory_space<vmem>>, vector<1x16xf32>,
        %get3A_1107 = vector.shape_cast %get3A_1106 : vector<1x16xf32> to vector<16xf32>
        %get3A_1108 = arith.index_cast %add3A_1071 : i32 to index
        %get3A_1109 = arith.constant 32 : index
        %get3A_1110 = tpu.vector_load %arg9[%get3A_1108, %get3A_1109] {strides = array<i32>} : memref<208x64xf32, #tpu.memory_space<vmem>>, vector<1x16xf32>,
        %get3A_1111 = vector.shape_cast %get3A_1110 : vector<1x16xf32> to vector<16xf32>
        %add3A_1112 = arith.addf %get3A_1107, %get3A_1111 : vector<16xf32>
        %mul3A_1113 = vector.broadcast %squeeze3A_1069 : f32 to vector<16xf32>
        %mul3A_1114 = arith.mulf %add3A_1112, %mul3A_1113 : vector<16xf32>
        %swap3A_1115 = arith.index_cast %add3A_1071 : i32 to index
        %swap3A_1116 = arith.constant 32 : index
        %swap3A_1117 = tpu.vector_load %arg10[%swap3A_1115, %swap3A_1116] {strides = array<i32>} : memref<208x64xf32, #tpu.memory_space<vmem>>, vector<1x16xf32>,
        %swap3A_1118 = vector.shape_cast %swap3A_1117 : vector<1x16xf32> to vector<16xf32>
        %swap3A_1119 = vector.shape_cast %mul3A_1114 : vector<16xf32> to vector<1x16xf32>
        tpu.vector_store %arg10[%swap3A_1115, %swap3A_1116], %swap3A_1119 {strides = array<i32>} : memref<208x64xf32, #tpu.memory_space<vmem>>, vector<1x16xf32>,
        %get3A_1120 = arith.index_cast %add3A_1071 : i32 to index
        %get3A_1121 = arith.constant 48 : index
        %get3A_1122 = tpu.vector_load %arg10[%get3A_1120, %get3A_1121] {strides = array<i32>} : memref<208x64xf32, #tpu.memory_space<vmem>>, vector<1x16xf32>,
        %get3A_1123 = vector.shape_cast %get3A_1122 : vector<1x16xf32> to vector<16xf32>
        %get3A_1124 = arith.index_cast %add3A_1071 : i32 to index
        %get3A_1125 = arith.constant 48 : index
        %get3A_1126 = tpu.vector_load %arg9[%get3A_1124, %get3A_1125] {strides = array<i32>} : memref<208x64xf32, #tpu.memory_space<vmem>>, vector<1x16xf32>,
        %get3A_1127 = vector.shape_cast %get3A_1126 : vector<1x16xf32> to vector<16xf32>
        %add3A_1128 = arith.addf %get3A_1123, %get3A_1127 : vector<16xf32>
        %mul3A_1129 = vector.broadcast %squeeze3A_1069 : f32 to vector<16xf32>
        %mul3A_1130 = arith.mulf %add3A_1128, %mul3A_1129 : vector<16xf32>
        %swap3A_1131 = arith.index_cast %add3A_1071 : i32 to index
        %swap3A_1132 = arith.constant 48 : index
        %swap3A_1133 = tpu.vector_load %arg10[%swap3A_1131, %swap3A_1132] {strides = array<i32>} : memref<208x64xf32, #tpu.memory_space<vmem>>, vector<1x16xf32>,
        %swap3A_1134 = vector.shape_cast %swap3A_1133 : vector<1x16xf32> to vector<16xf32>
        %swap3A_1135 = vector.shape_cast %mul3A_1130 : vector<16xf32> to vector<1x16xf32>
        tpu.vector_store %arg10[%swap3A_1131, %swap3A_1132], %swap3A_1135 {strides = array<i32>} : memref<208x64xf32, #tpu.memory_space<vmem>>, vector<1x16xf32>,
      }
      %scan3A_45 = arith.constant 13 : i32
      "tpu.region"() ({
        %run_scoped3A = tpu.sem_alloc : memref<!tpu.dma_semaphore, #tpu.memory_space<semaphore_mem>>
        %dma_start3A_46 = arith.constant 0 : i32
        %dma_start3A_47 = arith.constant 0 : i32
        %dma_start3A_48 = tpu.memref_slice %arg10[%dma_start3A_46, %dma_start3A_47] : memref<208x64xf32, #tpu.memory_space<vmem>> -> memref<201x64xf32, #tpu.memory_space<vmem>>
        %dma_start3A_49 = arith.constant 0 : i32
        %dma_start3A_50 = arith.constant 0 : i32
        %dma_start3A_51 = tpu.memref_slice %arg6[%add3A_9, %dma_start3A_49, %dma_start3A_50] : memref<4096x201x64xf32, #tpu.memory_space<hbm>> -> memref<1x201x64xf32, #tpu.memory_space<hbm>>
        %dma_start3A_52 = tpu.memref_squeeze %dma_start3A_51 : memref<1x201x64xf32, #tpu.memory_space<hbm>> -> memref<201x64xf32, #tpu.memory_space<hbm>>
        %dma_start3A_53 = arith.constant 0 : i32
        %dma_start3A_54 = arith.constant 0 : i32
        %dma_start3A_55 = tpu.memref_slice %arg6[%add3A_9, %dma_start3A_53, %dma_start3A_54] : memref<4096x201x64xf32, #tpu.memory_space<hbm>> -> memref<1x201x64xf32, #tpu.memory_space<hbm>>
        %dma_start3A_56 = tpu.memref_squeeze %dma_start3A_55 : memref<1x201x64xf32, #tpu.memory_space<hbm>> -> memref<201x64xf32, #tpu.memory_space<hbm>>
        %dma_start3A_57 = arith.constant 0 : i32
        %dma_start3A_58 = arith.constant 0 : i32
        %dma_start3A_59 = tpu.memref_slice %arg10[%dma_start3A_57, %dma_start3A_58] : memref<208x64xf32, #tpu.memory_space<vmem>> -> memref<201x64xf32, #tpu.memory_space<vmem>>
        tpu.enqueue_dma source(%dma_start3A_59 : memref<201x64xf32, #tpu.memory_space<vmem>>) target(%dma_start3A_56 : memref<201x64xf32, #tpu.memory_space<hbm>>) target_semaphore(%run_scoped3A : memref<!tpu.dma_semaphore, #tpu.memory_space<semaphore_mem>>)
        %dma_wait3A_60 = arith.constant 0 : i32
        %dma_wait3A_61 = arith.constant 0 : i32
        %dma_wait3A_62 = tpu.memref_slice %arg10[%dma_wait3A_60, %dma_wait3A_61] : memref<208x64xf32, #tpu.memory_space<vmem>> -> memref<201x64xf32, #tpu.memory_space<vmem>>
        %dma_wait3A_63 = arith.constant 0 : i32
        %dma_wait3A_64 = arith.constant 0 : i32
        %dma_wait3A_65 = tpu.memref_slice %arg6[%add3A_9, %dma_wait3A_63, %dma_wait3A_64] : memref<4096x201x64xf32, #tpu.memory_space<hbm>> -> memref<1x201x64xf32, #tpu.memory_space<hbm>>
        %dma_wait3A_66 = tpu.memref_squeeze %dma_wait3A_65 : memref<1x201x64xf32, #tpu.memory_space<hbm>> -> memref<201x64xf32, #tpu.memory_space<hbm>>
        %dma_wait3A_67 = arith.constant 0 : i32
        %dma_wait3A_68 = arith.constant 0 : i32
        %dma_wait3A_69 = tpu.memref_slice %arg6[%add3A_9, %dma_wait3A_67, %dma_wait3A_68] : memref<4096x201x64xf32, #tpu.memory_space<hbm>> -> memref<1x201x64xf32, #tpu.memory_space<hbm>>
        %dma_wait3A_70 = tpu.memref_squeeze %dma_wait3A_69 : memref<1x201x64xf32, #tpu.memory_space<hbm>> -> memref<201x64xf32, #tpu.memory_space<hbm>>
        %dma_wait3A_71 = arith.constant 0 : i32
        %dma_wait3A_72 = arith.constant 0 : i32
        %dma_wait3A_73 = tpu.memref_slice %arg10[%dma_wait3A_71, %dma_wait3A_72] : memref<208x64xf32, #tpu.memory_space<vmem>> -> memref<201x64xf32, #tpu.memory_space<vmem>>
        tpu.wait_dma2 semaphore(%run_scoped3A : memref<!tpu.dma_semaphore, #tpu.memory_space<semaphore_mem>>) src(%dma_wait3A_73 : memref<201x64xf32, #tpu.memory_space<vmem>>) dst(%dma_wait3A_70 : memref<201x64xf32, #tpu.memory_space<hbm>>)
        tpu.yield
      }) : () -> ()
    }
    %scan3A_5 = arith.constant 128 : i32
    return
  }
}

</mosaic_0001>

<sc_bundles>
// kernel: kernel.3.cloned.1.call-start
scs
__scs_entry_jumppad:
0x0: {  	(pc) =	sbr.rel $0x88, $3  }
0x1: {  	(tag) =	ssettag $0x0;
	lr =	simm.s32 $0x1  }
0x2: {  	[smem:$0x3F9C] =	sst lr;
	_ =	strace $0xD0000000  }
0x3: {  	_ = 	snop  }
0x4: {  	_ = 	snop  }
0x5: {  	_ = 	snop  }
0x6: {  	_ = 	snop  }
0x7: {  	_ = 	snop  }
__scs_overlays_trampoline_lowered:
0x8: {  	[smem:$0x3FAB] =	sst s0  }
0x9: {  	[smem:$0x3FAC] =	sst s1  }
0xa: {  	[smem:$0x3FAD] =	sst s2  }
0xb: {  	[smem:$0x3FAE] =	sst s3  }
0xc: {  	[smem:$0x3FAF] =	sst s4  }
0xd: {  	[smem:$0x3FB0] =	sst s5  }
0xe: {  	[smem:$0x3FB1] =	sst s6  }
0xf: {  	[smem:$0x3FB2] =	sst s7  }
0x10: {  	[smem:$0x3FB3] =	sst s8  }
0x11: {  	[smem:$0x3FB4] =	sst s9;
	s0 =	simm.s32 @!p0 $0x0  }
0x12: {  	s1 =	sld [smem:$0x3F9A];
	s0 =	simm.s32 @p0 $0x1  }
0x13: {  	[smem:$0x3FB5] =	sst s0;
	s0 =	simm.s32 @!p1 $0x0  }
0x14: {  	s2 =	sld [smem:$0x3F99];
	s0 =	simm.s32 @p1 $0x1  }
0x15: {  	[smem:$0x3FB6] =	sst s0;
	s0 =	simm.s32 @!p2 $0x0  }
0x16: {  	s3 =	sld [smem:$0x3FDB];
	s0 =	simm.s32 @p2 $0x1  }
0x17: {  	s4 =	simm.s32 $0x1BF5;
	[smem:$0x3FB8] =	sst s0  }
0x18: {  	s0 =	sld [smem:$0x3F9B];
	_ =	swait.ge [sflag:s4], $0x0  }
0x19: {  	s7 =	sld [smem:$0x3F9C]  }
0x1a: {  	s8 =	sadd.s32 $0xFFFFE003, lr  }
0x1b: {  	s9 =	sadd.s32 $0xFFFFFEF7, lr;
	s5 =	simm.s32 $0xFFFFFFFF;
	p2 =	slt.u32 s8, $0xFFFFF086  }
0x1c: {  	p1 =	slt.u32 s9, $0xF7A;
	s5 =	simm.s32 @!p2 $0x0  }
0x1d: {  	s5 =	simm.s32 @p1 $0x1;
	p0 =	seq.s32 s7, s2  }
0x1e: {  	s7 =	smul.u32 @!p0 $0xF7A, s2;
	p2 =	seq.s32 @!p0 s5, $0x0  }
0x1f: {  	s9 =	smul.u32 $0xF7A, s1;
	s8 =	simm.s32 @!p0 $0x1BF5;
	p2 =	por !p2, p0  }
0x20: {  	[sflag:s8] =	ssyncset.s32 @!p0 $0xFFFFF086;
	s6 =	sadd.s32 @!p0 s3, s7;
	s7 =	simm.s32 @!p0 $0x108  }
0x21: {  	s3 =	sadd.s32 s3, s9;
	s6 =	sadd.s32 @!p0 $0x88, s6;
	s7 =	simm.s32 @p2 $0x1082  }
0x22: {  	[simem:s7], [sflag:s8] =	dma.local @!p0 [hbm:s6], $0xF7A  }
0x23: {  	s9 =	sor.u32 $0xD0000000, s2;
	s6 =	simm.s32 $0x108;
	_ =	swait.ge @!p0 [sflag:s8], $0x0  }
0x24: {  	s3 =	sadd.s32 $0x88, s3;
	s6 =	simm.s32 @!p1 $0x1082;
	[sflag:s4] =	ssyncset.s32 $0xFFFFF086  }
0x25: {  	[simem:s6], [sflag:s4] =	dma.local [hbm:s3], $0xF7A  }
0x26: {  	[smem:$0x3F9C] =	sst s1;
	(tag) =	ssettag s2;
	_ =	strace s9  }
0x27: {  	s1 =	sld [smem:$0x3FAC]  }
0x28: {  	s2 =	sld [smem:$0x3FAD]  }
0x29: {  	s4 =	sld [smem:$0x3FAF]  }
0x2a: {  	p0 =	seq.s32 s5, $0x0;
	s5 =	sld [smem:$0x3FB0]  }
0x2b: {  	s6 =	sld [smem:$0x3FB1]  }
0x2c: {  	s7 =	sld [smem:$0x3FB2]  }
0x2d: {  	s3 =	simm.s32 $0x108;
	s8 =	sld [smem:$0x3FB3]  }
0x2e: {  	s3 =	simm.s32 @!p0 $0x1082;
	s9 =	sld [smem:$0x3FB4]  }
0x2f: {  	lr =	sadd.s32 s0, s3;
	s0 =	sld [smem:$0x3FAB]  }
0x30: {  	s3 =	sld [smem:$0x3FAE]  }
0x31: {  	[smem:$0x3FB7] =	sst s10  }
0x32: {  	s10 =	sld [smem:$0x3FB5];
	_ =	sdelay $0x3  }
0x33: {  	p0 =	seq.s32 s10, $0x1;
	s10 =	sld [smem:$0x3FB7];
	_ =	sdelay $0x3  }
0x34: {  	[smem:$0x3FB7] =	sst s10  }
0x35: {  	s10 =	sld [smem:$0x3FB6];
	_ =	sdelay $0x3  }
0x36: {  	p1 =	seq.s32 s10, $0x1;
	s10 =	sld [smem:$0x3FB7];
	_ =	sdelay $0x3  }
0x37: {  	[smem:$0x3FB7] =	sst s10  }
0x38: {  	s10 =	sld [smem:$0x3FB8]  }
0x39: {  	_ = 	snop;
	(pc) =	sbr.ind lr, $3  }
0x3a: {  	_ = 	snop  }
0x3b: {  	_ = 	snop  }
0x3c: {  	p2 =	seq.s32 s10, $0x1;
	s10 =	sld [smem:$0x3FB7]  }
0x3d: {  	_ =	shalt  }
0x3e: {  	_ =	shalt  }
0x3f: {  	_ =	shalt  }
0x40: {  	_ =	shalt  }
0x41: {  	_ =	shalt  }
0x42: {  	_ =	shalt  }
0x43: {  	_ =	shalt  }
0x44: {  	_ =	shalt  }
0x45: {  	_ =	shalt  }
0x46: {  	_ =	shalt  }
0x47: {  	_ =	shalt  }
0x48: {  	_ =	shalt  }
0x49: {  	_ =	shalt  }
0x4a: {  	_ =	shalt  }
0x4b: {  	_ =	shalt  }
0x4c: {  	_ =	shalt  }
0x4d: {  	_ =	shalt  }
0x4e: {  	_ =	shalt  }
0x4f: {  	_ =	shalt  }
0x50: {  	_ =	shalt  }
0x51: {  	_ =	shalt  }
0x52: {  	_ =	shalt  }
0x53: {  	_ =	shalt  }
0x54: {  	_ =	shalt  }
0x55: {  	_ =	shalt  }
0x56: {  	_ =	shalt  }
0x57: {  	_ =	shalt  }
0x58: {  	_ =	shalt  }
0x59: {  	_ =	shalt  }
0x5a: {  	_ =	shalt  }
0x5b: {  	_ =	shalt  }
0x5c: {  	_ =	shalt  }
0x5d: {  	_ =	shalt  }
0x5e: {  	_ =	shalt  }
0x5f: {  	_ =	shalt  }
0x60: {  	_ =	shalt  }
0x61: {  	_ =	shalt  }
0x62: {  	_ =	shalt  }
0x63: {  	_ =	shalt  }
0x64: {  	_ =	shalt  }
0x65: {  	_ =	shalt  }
0x66: {  	_ =	shalt  }
0x67: {  	_ =	shalt  }
0x68: {  	_ =	shalt  }
0x69: {  	_ =	shalt  }
0x6a: {  	_ =	shalt  }
0x6b: {  	_ =	shalt  }
0x6c: {  	_ =	shalt  }
0x6d: {  	_ =	shalt  }
0x6e: {  	_ =	shalt  }
0x6f: {  	_ =	shalt  }
0x70: {  	_ =	shalt  }
0x71: {  	_ =	shalt  }
0x72: {  	_ =	shalt  }
0x73: {  	_ =	shalt  }
0x74: {  	_ =	shalt  }
0x75: {  	_ =	shalt  }
0x76: {  	_ =	shalt  }
0x77: {  	_ =	shalt  }
0x78: {  	_ =	shalt  }
0x79: {  	_ =	shalt  }
0x7a: {  	_ =	shalt  }
0x7b: {  	_ =	shalt  }
0x7c: {  	_ =	shalt  }
0x7d: {  	_ =	shalt  }
0x7e: {  	_ =	shalt  }
0x7f: {  	_ =	shalt  }
0x80: {  	_ =	shalt  }
0x81: {  	_ =	shalt  }
0x82: {  	_ =	shalt  }
0x83: {  	_ =	shalt  }
0x84: {  	_ =	shalt  }
0x85: {  	_ =	shalt  }
0x86: {  	_ =	shalt  }
0x87: {  	_ =	shalt  }
.Lfunc_end0:
.L_simem_size_0:
called_computation.1_lowered:
.L_overlay_start_0:
0x88: {  	s2 =	sld [smem:$0x3FD9]  }
0x89: {  	s3 =	sld [smem:$0x3FFE];
	_ =	sdelay $0x1  }
0x8a: {  	s1 =	srdreg.scid  }
0x8b: {  	s0 =	sand.u32 $0x1, s1  }
0x8c: {  	s17 =	sshll.u32 s0, $0xA;
	s2 =	sadd.s32 s3, s2  }
0x8d: {  	s2 =	sadd.s32 s2, s17  }
0x8e: {  	[smem:$0x3FC3] =	sst s2  }
0x8f: {  	_ = 	snop  }
0x90: {  	s2 =	sld [smem:$0x3FD0];
	(tm) =	ssettm $0x1  }
0x91: {  	s18 =	sld [smem:$0x3FFB];
	_ =	sdelay $0x3  }
0x92: {  	_ =	strace s18  }
0x93: {  	s3 =	sld [smem:$0x3FFC];
	_ =	sdelay $0x3  }
0x94: {  	_ =	strace s3  }
0x95: {  	s3 =	sld [smem:$0x3FFD];
	_ =	sdelay $0x3  }
0x96: {  	_ =	strace s3  }
0x97: {  	_ =	strace $0x8FFFFFFF  }
0x98: {  	s19 =	sld [smem:$0x3FDB];
	_ =	sdelay $0x1  }
0x99: {  	s4 =	simm.s32 $_scs_section_size  }
0x9a: {  	s5 =	simm.s32 $_size__tile_overlayer_lowered;
	s6 =	simm.s32 $_tile_overlayer_lowered  }
0x9b: {  	s22 =	simm.s32 $0x1BFF;
	s21 =	sshll.u32 s6, $0x1;
	s3 =	sadd.s32 s4, s19  }
0x9c: {  	s7 =	simm.s32 $0x0;
	s20 =	sshll.u32 s5, $0x1;
	s5 =	sadd.s32 s21, s3  }
0x9d: {  	[timem:s7], [sflag:s22] =	dma.local [hbm:s5], s20  }
0x9e: {  	_ =	swait.ge [sflag:s22], s20  }
0x9f: {  	s4 =	ssub.s32 $0x0, s20;
	[sflag:s22] =	ssyncset.done $0x0  }
0xa0: {  	[sflag:s22] =	ssyncadd.s32 s4;
	_ =	sdelay $0x1  }
0xa1: {  	s23 =	simm.s32 $0x1B8B  }
0xa2: {  	_ =	swait.ge [sflag:s23], $0x1  }
0xa3: {  	[sflag:s23] =	ssyncset.done $0x0  }
0xa4: {  	s25 =	simm.s32 $0x1B8E;
	s24 =	sld [smem:$0x3FFE];
	[sflag:s23] =	ssyncadd.s32 $0xFFFFFFFF  }
0xa5: {  	s26 =	simm.s32 $execute0_lowered;
	[smem:$0x3FD2] =	sst s25  }
0xa6: {  	s5 =	sshll.u32 s26, $0x1;
	_ =	strace $0x80000046;
	[dreg:$0x1] =	wrdreg $0xFFFFFFFF  }
0xa7: {  	s28 =	simm.s32 $_size_execute0_lowered;
	s3 =	sadd.s32 s3, s5;
	[dreg:$0x0] =	wrdreg $0x0  }
0xa8: {  	s5 =	sshll.u32 s28, $0x1;
	[dreg:$0x2] =	wrdreg s3  }
0xa9: {  	[dreg:$0x3] =	wrdreg s5  }
0xaa: {  	[dreg:$0x4] =	wrdreg $0xC0  }
0xab: {  	_ =	task [dreg:s7], $0x5FFFF  }
0xac: {  	[dreg:$0x1] =	wrdreg $0xFFFFFFFF  }
0xad: {  	[dreg:$0x0] =	wrdreg $0x60  }
0xae: {  	[dreg:$0x2] =	wrdreg s24  }
0xaf: {  	[dreg:$0x3] =	wrdreg s2  }
0xb0: {  	[dreg:$0x4] =	wrdreg $0x9  }
0xb1: {  	_ =	task.clear_ibuf [dreg:s7], $0x5FFFF;
	_ =	strace $0x90000046  }
0xb2: {  	s29 =	simm.s32 $0x9;
	_ =	strace $0x80000048  }
0xb3: {  	_ =	swait.ge [sflag:s29], $0x1  }
0xb4: {  	[sflag:s29] =	ssyncadd.s32 $0xFFFFFFFF  }
0xb5: {  	_ =	strace $0x90000048  }
0xb6: {  	_ =	sfence  }
0xb7: {  	s30 =	sld [smem:$0x0];
	_ =	sdelay $0x2  }
0xb8: {  	s31 =	sshll.u32 s1, $0xD;
	s1 =	sshrl.u32 s1, $0x2  }
0xb9: {  	s3 =	sand.u32 $0x4000, s31;
	s1 =	sadd.s32 s1, s30  }
0xba: {  	s0 =	sor.u32 s3, s0;
	s1 =	sshll.u32 s1, $0x11  }
0xbb: {  	s0 =	sor.u32 s1, s0  }
0xbc: {  	s0 =	sadd.s32 $0x8F2B, s0  }
0xbd: {  	[sflag:s0] =	ssyncadd.remote.s32 $0x1  }
0xbe: {  	_ =	sfence.sel $0xFFFF  }
0xbf: {  	[dreg:$0x0] =	wrdreg $0xFFFFFFFF;
	(pc) =	sbr.abs _section_cstart, $3  }
0xc0: {  	[dreg:$0x1] =	wrdreg $0xFFFFFFFF  }
0xc1: {  	_ =	task.clear_ibuf [dreg:s7], $0x2FFFF;
	_ =	strace $0x9FFFFFFF  }
0xc2: {  	(tm) =	ssettm $0x7FFFFFFF  }
0xc3: {  	_ =	shalt  }
tec
execute0_lowered:
.L_overlay_start_1:
0x0: {  	(tag) =	ssettag $0x1  }
0x1: {  	s7 =	rddreg [dreg:$0x0]  }
0x2: {  	s1 =	rddreg [dreg:$0x1]  }
0x3: {  	s0 =	rddreg [dreg:$0x2];
	s2 =	simm.s32 $0x0  }
0x4: {  	s3 =	srdreg.scid;
	s12 =	simm.s32 $0x68;
	s13 =	simm.s32 $0x35A0  }
0x5: {  	s14 =	simm.s32 $0x61;
	s15 =	simm.s32 $0x4FA0;
	s16 =	simm.s32 $0x1  }
0x6: {  	s17 =	simm.s32 $0x0;
	[smem:$0x7FF] =	sst s2;
	s4 =	sadd.s32 $0xF43400, s7  }
0x7: {  	s5 =	sadd.s32 $0x1000, s7;
	s8 =	sand.u32 $0x1, s3;
	s6 =	sadd.s32 $0x1B000, s7  }
0x8: {  	s3 =	stileid.u32;
	s7 =	sadd.s32 $0x35000, s7;
	s9 =	ssub.s32 $0x2, s8  }
0x9: {  	s11 =	sshll.u32 s3, $0x8;
	s8 =	sshll.u32 s8, $0x7;
	s10 =	sshrl.u32 s9, $0x1  }
0xa: {  	_ =	strace $0x80000047;
	s8 =	sor.u32 s8, s11;
	s9 =	ssub.s32 s9, s10  }
0xb: {  	s11 =	simm.s32 $0x2;
	s10 =	simm.s32 $0x1A0;
	s9 =	smax.u32 s9, $0x1  }
.LBB2_1:
0xc: {  	[tilespmem:s10], [sflag:$0x2] =	stream.linear.gather [hbm4b:s7+s2], $0x3400, $0x38;
	[tilespmem:$0x69A0] =	vst v63  }
0xd: {  	_ =	swait.ge [sflag:s11], $0x3400  }
0xe: {  	[sflag:s11] =	ssyncset.done $0x0  }
0xf: {  	s18 =	simm.s32 $0x0;
	[sflag:s11] =	ssyncadd.s32 $0xFFFFCC00  }
.LBB2_2:
0x10: {  	s19 =	sadd.s32 s8, s18  }
0x11: {  	s20 =	smul.u32 $0x1A, s19;
	_ =	sdelay $0x1  }
0x12: {  	s21 =	sadd.s32 s5, s20  }
0x13: {  	[tilespmem:s2], [sflag:$0x2] =	stream.linear.gather [hbm4b:s21+s2], $0xD0, $0x38;
	[tilespmem:$0x69A0] =	vst v63  }
0x14: {  	_ =	swait.ge [sflag:s11], $0xD0  }
0x15: {  	[sflag:s11] =	ssyncset.done $0x0  }
0x16: {  	s20 =	sadd.s32 s6, s20;
	s21 =	simm.s32 $0xD0;
	[sflag:s11] =	ssyncadd.s32 $0xFFFFFF30  }
0x17: {  	[tilespmem:s21], [sflag:$0x2] =	stream.linear.gather [hbm4b:s20+s2], $0xD0, $0x38;
	[tilespmem:$0x69A0] =	vst v63  }
0x18: {  	_ =	swait.ge [sflag:s11], $0xD0  }
0x19: {  	[sflag:s11] =	ssyncset.done $0x0  }
0x1a: {  	[sflag:s11] =	ssyncadd.s32 $0xFFFFFF30  }
0x1b: {  	[tilespmem:s13], [sflag:$0x1] =	stream.indirect.gather [hbm4b:s4+s12], $0x40, s2, s12, $0xb8;
	[tilespmem:$0x69A0] =	vst v63  }
0x1c: {  	_ = 	snop  }
0x1d: {  	[tilespmem:s15], [sflag:$0x1] =	stream.indirect.gather [hbm4b:s4+s14], $0x40, s12, s14, $0xb8;
	[tilespmem:$0x69A0] =	vst v63  }
0x1e: {  	_ =	swait.ge [sflag:s16], $0x1A00  }
0x1f: {  	[sflag:s16] =	ssyncset.done $0x0  }
0x20: {  	[sflag:s16] =	ssyncadd.s32 $0xFFFFE600  }
0x21: {  	_ =	swait.ge [sflag:s16], $0x1840  }
0x22: {  	[sflag:s16] =	ssyncset.done $0x0  }
0x23: {  	s20 =	simm.s32 $0x3F0;
	[sflag:s16] =	ssyncadd.s32 $0xFFFFE7C0  }
0x24: {  	v8 =	vld [tilespmem:s20+$0x40];
	_ =	sdelay $0x4  }
0x25: {  	[tilespmem:$0x1FE90] =	vst v8;
	v8 =	vld [tilespmem:s20+$0x50];
	_ =	sdelay $0x4  }
0x26: {  	[tilespmem:$0x1FEA0] =	vst v8;
	v8 =	vld [tilespmem:s20+$0x60];
	_ =	sdelay $0x4  }
0x27: {  	[tilespmem:$0x1FEB0] =	vst v8;
	v8 =	vld [tilespmem:s20+$0x70];
	_ =	sdelay $0x4  }
0x28: {  	[tilespmem:$0x1FEC0] =	vst v8;
	v8 =	vld [tilespmem:s20+$0x90];
	_ =	sdelay $0x4  }
0x29: {  	[tilespmem:$0x1FED0] =	vst v8;
	v8 =	vld [tilespmem:s20+$0xB0];
	_ =	sdelay $0x4  }
0x2a: {  	[tilespmem:$0x1FEE0] =	vst v8;
	v8 =	vld [tilespmem:s20+$0xC0];
	_ =	sdelay $0x4  }
0x2b: {  	[tilespmem:$0x1FEF0] =	vst v8;
	v8 =	vld [tilespmem:s20+$0xD0];
	_ =	sdelay $0x4  }
0x2c: {  	[tilespmem:$0x1FF00] =	vst v8;
	v8 =	vld [tilespmem:s20+$0xE0];
	_ =	sdelay $0x1  }
0x2d: {  	v1 =	vld [tilespmem:s20+$0xFFFFFDB0]  }
0x2e: {  	v3 =	vld [tilespmem:s20+$0xFFFFFDC0]  }
0x2f: {  	v4 =	vld [tilespmem:s20+$0xFFFFFDD0]  }
0x30: {  	[tilespmem:$0x1FF10] =	vst v8;
	v8 =	vld [tilespmem:s20+$0xF0]  }
0x31: {  	v5 =	vld [tilespmem:s20+$0xFFFFFDE0]  }
0x32: {  	v2 =	vld [tilespmem:s20+$0xFFFFFDF0]  }
0x33: {  	v6 =	vld [tilespmem:s20+$0xFFFFFE00]  }
0x34: {  	v0 =	vld [tilespmem:s20+$0xFFFFFE10]  }
0x35: {  	[tilespmem:$0x1FF20] =	vst v8;
	v8 =	vld [tilespmem:s20+$0x100]  }
0x36: {  	v7 =	vld [tilespmem:s20+$0xFFFFFE20]  }
0x37: {  	v61 =	vld [tilespmem:s20+$0xFFFFFE30]  }
0x38: {  	v60 =	vld [tilespmem:s20+$0xFFFFFE40]  }
0x39: {  	v59 =	vld [tilespmem:s20+$0xFFFFFE50]  }
0x3a: {  	[tilespmem:$0x1FF30] =	vst v8;
	v8 =	vld [tilespmem:s20+$0x110]  }
0x3b: {  	v58 =	vld [tilespmem:s20+$0xFFFFFE60]  }
0x3c: {  	v57 =	vld [tilespmem:s20+$0xFFFFFE70]  }
0x3d: {  	v62 =	vld [tilespmem:s20+$0xFFFFFE80]  }
0x3e: {  	v54 =	vld [tilespmem:s20+$0xFFFFFE90]  }
0x3f: {  	[tilespmem:$0x1FF40] =	vst v8;
	v8 =	vld [tilespmem:s20+$0x120]  }
0x40: {  	v63 =	vld [tilespmem:s20+$0xFFFFFEA0]  }
0x41: {  	v51 =	vld [tilespmem:s20+$0xFFFFFEB0]  }
0x42: {  	v50 =	vld [tilespmem:s20+$0xFFFFFEC0]  }
0x43: {  	v49 =	vld [tilespmem:s20+$0xFFFFFED0]  }
0x44: {  	[tilespmem:$0x1FF50] =	vst v8;
	v8 =	vld [tilespmem:s20+$0x130]  }
0x45: {  	v48 =	vld [tilespmem:s20+$0xFFFFFEE0]  }
0x46: {  	v47 =	vld [tilespmem:s20+$0xFFFFFEF0]  }
0x47: {  	v52 =	vld [tilespmem:s20+$0xFFFFFF00]  }
0x48: {  	v46 =	vld [tilespmem:s20+$0xFFFFFF10]  }
0x49: {  	[tilespmem:$0x1FF60] =	vst v8;
	v8 =	vld [tilespmem:s20+$0x140]  }
0x4a: {  	v53 =	vld [tilespmem:s20+$0xFFFFFF20]  }
0x4b: {  	v43 =	vld [tilespmem:s20+$0xFFFFFF30]  }
0x4c: {  	v42 =	vld [tilespmem:s20+$0xFFFFFF40]  }
0x4d: {  	v40 =	vld [tilespmem:s20+$0xFFFFFF50]  }
0x4e: {  	[tilespmem:$0x1FF70] =	vst v8;
	v8 =	vld [tilespmem:s20+$0x150]  }
0x4f: {  	v41 =	vld [tilespmem:s20+$0xFFFFFF60]  }
0x50: {  	v37 =	vld [tilespmem:s20+$0xFFFFFF70]  }
0x51: {  	v44 =	vld [tilespmem:s20+$0xFFFFFF80]  }
0x52: {  	v36 =	vld [tilespmem:s20+$0xFFFFFF90]  }
0x53: {  	[tilespmem:$0x1FF80] =	vst v8;
	v8 =	vld [tilespmem:s20+$0x160]  }
0x54: {  	v45 =	vld [tilespmem:s20+$0xFFFFFFA0]  }
0x55: {  	v34 =	vld [tilespmem:s20+$0xFFFFFFB0]  }
0x56: {  	v32 =	vld [tilespmem:s20+$0xFFFFFFC0]  }
0x57: {  	v31 =	vld [tilespmem:s20+$0xFFFFFFD0]  }
0x58: {  	[tilespmem:$0x1FF90] =	vst v8;
	v8 =	vld [tilespmem:s20+$0x170]  }
0x59: {  	v30 =	vld [tilespmem:s20+$0xFFFFFFE0]  }
0x5a: {  	v29 =	vld [tilespmem:s20+$0xFFFFFFF0]  }
0x5b: {  	v33 =	vld [tilespmem:s20+$0x0]  }
0x5c: {  	v28 =	vld [tilespmem:s20+$0x10]  }
0x5d: {  	[tilespmem:$0x1FFA0] =	vst v8;
	v8 =	vld [tilespmem:s20+$0x180]  }
0x5e: {  	v35 =	vld [tilespmem:s20+$0x20]  }
0x5f: {  	v23 =	vld [tilespmem:s20+$0x30]  }
0x60: {  	v24 =	vld [tilespmem:s20+$0x80]  }
0x61: {  	v27 =	vld [tilespmem:s20+$0xA0]  }
0x62: {  	[tilespmem:$0x1FFB0] =	vst v8;
	v8 =	vld [tilespmem:s20+$0x190]  }
0x63: {  	v25 =	vld [tilespmem:s20+$0x3520]  }
0x64: {  	v26 =	vld [tilespmem:s20+$0x3500]  }
0x65: {  	v38 =	vld [tilespmem:s20+$0x34A0]  }
0x66: {  	v39 =	vld [tilespmem:s20+$0x3480]  }
0x67: {  	[tilespmem:$0x1FFC0] =	vst v8;
	v8 =	vld [tilespmem:s20+$0x1A0]  }
0x68: {  	v55 =	vld [tilespmem:s20+$0x3420]  }
0x69: {  	v56 =	vld [tilespmem:s20+$0x3400]  }
0x6a: {  	v9 =	vld [tilespmem:s20+$0x3380]  }
0x6b: {  	v11 =	vld [tilespmem:s20+$0x3320]  }
0x6c: {  	[tilespmem:$0x1FFD0] =	vst v8;
	v8 =	vld [tilespmem:s20+$0x35A0]  }
0x6d: {  	v12 =	vld [tilespmem:s20+$0x3300]  }
0x6e: {  	v13 =	vld [tilespmem:s20+$0x32A0]  }
0x6f: {  	v14 =	vld [tilespmem:s20+$0x3280]  }
0x70: {  	v15 =	vld [tilespmem:s20+$0x3220]  }
0x71: {  	[tilespmem:$0x1FFE0] =	vst v8;
	v8 =	vld [tilespmem:s20+$0x3580]  }
0x72: {  	v16 =	vld [tilespmem:s20+$0x3200]  }
0x73: {  	v17 =	vld [tilespmem:s20+$0x31E0]  }
0x74: {  	v18 =	vld [tilespmem:s20+$0x31C0]  }
0x75: {  	v19 =	vld [tilespmem:s20+$0x31B0]  }
0x76: {  	s22 =	simm.s32 $0x1FC0;
	[tilespmem:$0x1FFF0] =	vst v8;
	v8 =	vld [tilespmem:s20+$0x33A0]  }
.LBB2_3:
0x77: {  	v10 =	vld [tilespmem:s21+$0x0];
	_ =	sdelay $0x1  }
0x78: {  	v20 =	vld [tilespmem:s20+$0x31D0]  }
0x79: {  	v21 =	vld [tilespmem:s20+$0x31F0]  }
0x7a: {  	v22 =	vld [tilespmem:s20+$0x3210];
	v6 =	vadd.f32 v6, v16  }
0x7b: {  	v7 =	vadd.f32 v7, v15;
	v15 =	vld [tilespmem:s20+$0x3260];
	v1 =	vadd.f32 v1, v19;
	v16 =	vbroadcast v10, $0x0  }
0x7c: {  	v3 =	vadd.f32 v3, v18;
	v18 =	vld [tilespmem:s20+$0x3240]  }
0x7d: {  	v19 =	vld [tilespmem:s20+$0x3230];
	v4 =	vadd.f32 v4, v20;
	v1 =	vmul.f32 v1, v16  }
0x7e: {  	v5 =	vadd.f32 v5, v17;
	v17 =	vbroadcast v10, $0x1;
	v20 =	vld [tilespmem:s20+$0x3250];
	v3 =	vmul.f32 v3, v16  }
0x7f: {  	v2 =	vadd.f32 v2, v21;
	v0 =	vadd.f32 v0, v22;
	v21 =	vld [tilespmem:s20+$0x32B0];
	v4 =	vmul.f32 v4, v16;
	[tilespmem:s20+$0x31B0] =	vst v1  }
0x80: {  	v22 =	vld [tilespmem:s20+$0x3440];
	v5 =	vmul.f32 v5, v16;
	[tilespmem:s20+$0x31C0] =	vst v3  }
0x81: {  	v13 =	vadd.f32 v63, v13;
	v16 =	vld [tilespmem:s20+$0x3270];
	v0 =	vmul.f32 v0, v17;
	v1 =	vmul.f32 v2, v17;
	[tilespmem:s20+$0x31D0] =	vst v4  }
0x82: {  	v2 =	vmul.f32 v6, v17;
	v6 =	vld [tilespmem:s20+$0x3290];
	v3 =	vmul.f32 v7, v17;
	v7 =	vadd.f32 v62, v14;
	[tilespmem:s20+$0x31E0] =	vst v5  }
0x83: {  	v14 =	vld [tilespmem:s20+$0x32E0];
	v4 =	vadd.f32 v61, v19;
	v17 =	vbroadcast v10, $0x2;
	v18 =	vadd.f32 v60, v18;
	[tilespmem:s20+$0x3210] =	vst v0  }
0x84: {  	v19 =	vld [tilespmem:s20+$0x32C0];
	v15 =	vadd.f32 v58, v15;
	v5 =	vadd.f32 v59, v20;
	v20 =	vbroadcast v10, $0x3;
	[tilespmem:s20+$0x31F0] =	vst v1  }
0x85: {  	v11 =	vadd.f32 v53, v11;
	v1 =	vmul.f32 v4, v17;
	v4 =	vmul.f32 v18, v17;
	v18 =	vld [tilespmem:s20+$0x32D0];
	[tilespmem:s20+$0x3200] =	vst v2  }
0x86: {  	[tilespmem:s20+$0x3220] =	vst v3;
	v16 =	vadd.f32 v57, v16;
	v2 =	vmul.f32 v5, v17;
	v5 =	vmul.f32 v15, v17;
	v15 =	vld [tilespmem:s20+$0x32F0]  }
0x87: {  	v7 =	vmul.f32 v7, v20;
	[tilespmem:s20+$0x3230] =	vst v1;
	v1 =	vadd.f32 v51, v21;
	v21 =	vld [tilespmem:s20+$0x3330];
	v6 =	vadd.f32 v54, v6  }
0x88: {  	v12 =	vadd.f32 v52, v12;
	v17 =	vbroadcast v10, $0x4;
	[tilespmem:s20+$0x3240] =	vst v4;
	v0 =	vmul.f32 v16, v20;
	v16 =	vld [tilespmem:s20+$0x3310]  }
0x89: {  	v19 =	vadd.f32 v50, v19;
	[tilespmem:s20+$0x3250] =	vst v2;
	v3 =	vmul.f32 v6, v20;
	v6 =	vmul.f32 v13, v20;
	v13 =	vld [tilespmem:s20+$0x3360]  }
0x8a: {  	v14 =	vadd.f32 v48, v14;
	[tilespmem:s20+$0x3260] =	vst v5;
	v20 =	vld [tilespmem:s20+$0x3340];
	v4 =	vadd.f32 v49, v18  }
0x8b: {  	[tilespmem:s20+$0x3280] =	vst v7;
	v18 =	vbroadcast v10, $0x5;
	v2 =	vmul.f32 v19, v17;
	v19 =	vld [tilespmem:s20+$0x3350];
	v15 =	vadd.f32 v47, v15  }
0x8c: {  	v1 =	vmul.f32 v1, v17;
	v5 =	vmul.f32 v14, v17;
	[tilespmem:s20+$0x3290] =	vst v3;
	v3 =	vadd.f32 v43, v21;
	v21 =	vld [tilespmem:s20+$0x33B0]  }
0x8d: {  	[tilespmem:s20+$0x3270] =	vst v0;
	v4 =	vmul.f32 v4, v17;
	v14 =	vadd.f32 v46, v16;
	v0 =	vmul.f32 v15, v18;
	v15 =	vld [tilespmem:s20+$0x3390]  }
0x8e: {  	v8 =	vadd.f32 v45, v8;
	[tilespmem:s20+$0x32B0] =	vst v1;
	v12 =	vmul.f32 v12, v18;
	v17 =	vbroadcast v10, $0x6;
	v16 =	vld [tilespmem:s20+$0x3370]  }
0x8f: {  	v11 =	vmul.f32 v11, v18;
	[tilespmem:s20+$0x32A0] =	vst v6;
	v7 =	vmul.f32 v14, v18;
	v14 =	vld [tilespmem:s20+$0x33E0];
	v18 =	vadd.f32 v42, v20  }
0x90: {  	[tilespmem:s20+$0x32C0] =	vst v2;
	v1 =	vmul.f32 v3, v17;
	v20 =	vld [tilespmem:s20+$0x33C0];
	v6 =	vadd.f32 v40, v19;
	v13 =	vadd.f32 v41, v13  }
0x91: {  	v9 =	vadd.f32 v44, v9;
	[tilespmem:s20+$0x32E0] =	vst v5;
	v19 =	vbroadcast v10, $0x7;
	v3 =	vmul.f32 v18, v17;
	v18 =	vld [tilespmem:s20+$0x33D0]  }
0x92: {  	[tilespmem:s20+$0x32F0] =	vst v0;
	v2 =	vmul.f32 v6, v17;
	v6 =	vmul.f32 v13, v17;
	v13 =	vadd.f32 v36, v15;
	v15 =	vld [tilespmem:s20+$0x33F0]  }
0x93: {  	v16 =	vadd.f32 v37, v16;
	[tilespmem:s20+$0x3340] =	vst v3;
	v3 =	vadd.f32 v24, v39;
	v24 =	vld [tilespmem:$0x1FE90]  }
0x94: {  	v9 =	vmul.f32 v9, v19;
	v0 =	vadd.f32 v34, v21;
	v21 =	vbroadcast v10, $0x8;
	[tilespmem:s20+$0x3360] =	vst v6;
	v6 =	vld [tilespmem:$0x1FEA0]  }
0x95: {  	[tilespmem:s20+$0x32D0] =	vst v4;
	v8 =	vmul.f32 v8, v19;
	v4 =	vmul.f32 v16, v19;
	v16 =	vld [tilespmem:s20+$0x3410]  }
0x96: {  	[tilespmem:s20+$0x3300] =	vst v12;
	v0 =	vmul.f32 v0, v21;
	v5 =	vmul.f32 v13, v19;
	v19 =	vld [tilespmem:s20+$0x3460]  }
0x97: {  	[tilespmem:s20+$0x3320] =	vst v11;
	v20 =	vadd.f32 v32, v20;
	v14 =	vadd.f32 v30, v14;
	v30 =	vld [tilespmem:s20+$0x3430]  }
0x98: {  	[tilespmem:s20+$0x33B0] =	vst v0;
	v0 =	vld [tilespmem:$0x1FEE0]  }
0x99: {  	[tilespmem:s20+$0x3310] =	vst v7;
	v7 =	vmul.f32 v20, v21;
	v20 =	vld [tilespmem:s20+$0x3450]  }
0x9a: {  	v12 =	vadd.f32 v31, v18;
	[tilespmem:s20+$0x3370] =	vst v4;
	v4 =	vld [tilespmem:$0x1FEC0]  }
0x9b: {  	v18 =	vbroadcast v10, $0x9;
	[tilespmem:s20+$0x3390] =	vst v5;
	v5 =	vld [tilespmem:$0x1FF30];
	v15 =	vadd.f32 v29, v15  }
0x9c: {  	[tilespmem:s20+$0x3330] =	vst v1;
	v11 =	vmul.f32 v12, v21;
	v12 =	vmul.f32 v14, v21;
	v14 =	vadd.f32 v28, v16;
	v16 =	vld [tilespmem:s20+$0x3470]  }
0x9d: {  	[tilespmem:s20+$0x33C0] =	vst v7;
	v7 =	vld [tilespmem:$0x1FF00];
	v1 =	vmul.f32 v15, v18  }
0x9e: {  	[tilespmem:s20+$0x3350] =	vst v2;
	v15 =	vld [tilespmem:s20+$0x3490];
	v2 =	vadd.f32 v23, v30;
	v23 =	vbroadcast v10, $0xA;
	v6 =	vadd.f32 v6, v20  }
0x9f: {  	v20 =	vld [tilespmem:$0x1FEB0]  }
0xa0: {  	v17 =	vadd.f32 v35, v55;
	[tilespmem:s20+$0x3380] =	vst v9;
	v9 =	vmul.f32 v6, v23;
	v6 =	vld [tilespmem:$0x1FED0]  }
0xa1: {  	v13 =	vadd.f32 v33, v56;
	v4 =	vadd.f32 v4, v16;
	v16 =	vld [tilespmem:s20+$0x34D0]  }
0xa2: {  	v22 =	vadd.f32 v24, v22;
	v24 =	vld [tilespmem:s20+$0x34C0]  }
0xa3: {  	v13 =	vmul.f32 v13, v18;
	v21 =	vadd.f32 v27, v38;
	v17 =	vmul.f32 v17, v18;
	v27 =	vld [tilespmem:s20+$0x34B0]  }
0xa4: {  	v14 =	vmul.f32 v14, v18;
	v18 =	vld [tilespmem:s20+$0x34E0];
	v19 =	vadd.f32 v20, v19;
	v20 =	vbroadcast v10, $0xB  }
0xa5: {  	v2 =	vmul.f32 v2, v23;
	v22 =	vmul.f32 v22, v23;
	[tilespmem:s20+$0x33F0] =	vst v1;
	v1 =	vld [tilespmem:$0x1FFD0];
	v6 =	vadd.f32 v6, v15  }
0xa6: {  	v19 =	vmul.f32 v19, v23;
	v23 =	vmul.f32 v4, v20;
	v7 =	vadd.f32 v7, v16;
	v16 =	vld [tilespmem:$0x1FF10]  }
0xa7: {  	[tilespmem:s20+$0x33A0] =	vst v8;
	v28 =	vmul.f32 v3, v20;
	v4 =	vld [tilespmem:$0x1FF50];
	v8 =	vmul.f32 v6, v20  }
0xa8: {  	v0 =	vadd.f32 v0, v27;
	v15 =	vld [tilespmem:s20+$0x34F0];
	v20 =	vmul.f32 v21, v20;
	v21 =	vbroadcast v10, $0xC  }
0xa9: {  	v3 =	vld [tilespmem:s20+$0x3510]  }
0xaa: {  	[tilespmem:s20+$0x33D0] =	vst v11;
	v5 =	vadd.f32 v5, v26;
	v11 =	vmul.f32 v0, v21;
	v0 =	vld [tilespmem:$0x1FF20]  }
0xab: {  	[tilespmem:s20+$0x33E0] =	vst v12;
	v12 =	vmul.f32 v7, v21;
	v7 =	vld [tilespmem:$0x1FF40];
	v16 =	vadd.f32 v16, v18;
	v18 =	vbroadcast v10, $0xD  }
0xac: {  	v4 =	vadd.f32 v4, v25;
	v25 =	vld [tilespmem:$0x1FEF0]  }
0xad: {  	v27 =	vmul.f32 v5, v18;
	v5 =	vld [tilespmem:$0x1FFE0];
	_ =	sdelay $0x3  }
0xae: {  	s23 =	sshra.s32 s22, $0x2;
	v3 =	vadd.f32 v7, v3;
	v24 =	vadd.f32 v25, v24  }
0xaf: {  	v16 =	vmul.f32 v16, v21;
	v0 =	vadd.f32 v0, v15;
	v29 =	vadd.f32 v1, v5;
	v1 =	vld [tilespmem:s23+$0xFFFFFDB0]  }
0xb0: {  	v24 =	vmul.f32 v24, v21;
	[tilespmem:s20+$0x3400] =	vst v13;
	v13 =	vmul.f32 v3, v18;
	v3 =	vld [tilespmem:$0x1FFB0]  }
0xb1: {  	v21 =	vmul.f32 v0, v18;
	v18 =	vmul.f32 v4, v18;
	v4 =	vld [tilespmem:$0x1FFF0];
	_ =	sdelay $0x2  }
0xb2: {  	v26 =	vld [tilespmem:s20+$0x3530]  }
0xb3: {  	v15 =	vld [tilespmem:s20+$0x3550]  }
0xb4: {  	v30 =	vadd.f32 v3, v4;
	v4 =	vld [tilespmem:$0x1FF60]  }
0xb5: {  	v5 =	vld [tilespmem:$0x1FF80]  }
0xb6: {  	v6 =	vld [tilespmem:s20+$0x3560]  }
0xb7: {  	v25 =	vld [tilespmem:s20+$0x3540]  }
0xb8: {  	v3 =	vld [tilespmem:s23+$0xFFFFFDC0]  }
0xb9: {  	[tilespmem:s20+$0x3410] =	vst v14;
	v14 =	vadd.f32 v4, v26;
	v4 =	vld [tilespmem:$0x1FF70]  }
0xba: {  	v15 =	vadd.f32 v5, v15;
	v5 =	vld [tilespmem:$0x1FF90];
	_ =	sdelay $0x2  }
0xbb: {  	v7 =	vld [tilespmem:s20+$0x3570]  }
0xbc: {  	v25 =	vadd.f32 v4, v25;
	v4 =	vld [tilespmem:s23+$0xFFFFFDD0];
	[tilespmem:s20+$0x3420] =	vst v17  }
0xbd: {  	v6 =	vadd.f32 v5, v6;
	v5 =	vld [tilespmem:s23+$0xFFFFFDE0]  }
0xbe: {  	[tilespmem:s20+$0x3430] =	vst v2;
	v2 =	vld [tilespmem:$0x1FFA0];
	_ =	sdelay $0x3  }
0xbf: {  	v0 =	vld [tilespmem:s20+$0x3590];
	v26 =	vbroadcast v10, $0xE  }
0xc0: {  	v7 =	vadd.f32 v2, v7;
	v2 =	vld [tilespmem:s23+$0xFFFFFDF0]  }
0xc1: {  	[tilespmem:s20+$0x3440] =	vst v22;
	v22 =	vmul.f32 v6, v26;
	v6 =	vld [tilespmem:$0x1FFC0];
	_ =	sdelay $0x4  }
0xc2: {  	v10 =	vbroadcast v10, $0xF;
	v17 =	vmul.f32 v25, v26;
	v25 =	vadd.f32 v6, v0;
	v6 =	vld [tilespmem:s23+$0xFFFFFE00];
	[tilespmem:s20+$0x3450] =	vst v9  }
0xc3: {  	v0 =	vld [tilespmem:s23+$0xFFFFFE10];
	[tilespmem:s20+$0x3460] =	vst v19  }
0xc4: {  	v9 =	vmul.f32 v7, v10;
	v7 =	vld [tilespmem:s23+$0xFFFFFE20];
	[tilespmem:s20+$0x3470] =	vst v23  }
0xc5: {  	v61 =	vld [tilespmem:s23+$0xFFFFFE30];
	[tilespmem:s20+$0x3480] =	vst v28  }
0xc6: {  	v60 =	vld [tilespmem:s23+$0xFFFFFE40];
	[tilespmem:s20+$0x3490] =	vst v8  }
0xc7: {  	v59 =	vld [tilespmem:s23+$0xFFFFFE50];
	[tilespmem:s20+$0x34A0] =	vst v20  }
0xc8: {  	v58 =	vld [tilespmem:s23+$0xFFFFFE60];
	[tilespmem:s20+$0x34B0] =	vst v11  }
0xc9: {  	v57 =	vld [tilespmem:s23+$0xFFFFFE70];
	[tilespmem:s20+$0x34C0] =	vst v24  }
0xca: {  	v62 =	vld [tilespmem:s23+$0xFFFFFE80];
	[tilespmem:s20+$0x34D0] =	vst v12  }
0xcb: {  	v54 =	vld [tilespmem:s23+$0xFFFFFE90];
	[tilespmem:s20+$0x34E0] =	vst v16  }
0xcc: {  	v63 =	vld [tilespmem:s23+$0xFFFFFEA0];
	[tilespmem:s20+$0x34F0] =	vst v21  }
0xcd: {  	v51 =	vld [tilespmem:s23+$0xFFFFFEB0];
	[tilespmem:s20+$0x3500] =	vst v27  }
0xce: {  	v14 =	vmul.f32 v14, v26;
	v50 =	vld [tilespmem:s23+$0xFFFFFEC0];
	[tilespmem:s20+$0x3510] =	vst v13  }
0xcf: {  	v49 =	vld [tilespmem:s23+$0xFFFFFED0];
	[tilespmem:s20+$0x3520] =	vst v18  }
0xd0: {  	v15 =	vmul.f32 v15, v26;
	v48 =	vld [tilespmem:s23+$0xFFFFFEE0];
	[tilespmem:s20+$0x3530] =	vst v14  }
0xd1: {  	v47 =	vld [tilespmem:s23+$0xFFFFFEF0];
	[tilespmem:s20+$0x3540] =	vst v17  }
0xd2: {  	v52 =	vld [tilespmem:s23+$0xFFFFFF00];
	[tilespmem:s20+$0x3550] =	vst v15  }
0xd3: {  	v26 =	vmul.f32 v30, v10;
	v46 =	vld [tilespmem:s23+$0xFFFFFF10];
	[tilespmem:s20+$0x3560] =	vst v22  }
0xd4: {  	v19 =	vmul.f32 v25, v10;
	v53 =	vld [tilespmem:s23+$0xFFFFFF20];
	[tilespmem:s20+$0x3570] =	vst v9  }
0xd5: {  	v10 =	vmul.f32 v29, v10;
	v43 =	vld [tilespmem:s23+$0xFFFFFF30];
	[tilespmem:s20+$0x3580] =	vst v26  }
0xd6: {  	v42 =	vld [tilespmem:s23+$0xFFFFFF40];
	[tilespmem:s20+$0x3590] =	vst v19  }
0xd7: {  	v40 =	vld [tilespmem:s23+$0xFFFFFF50];
	[tilespmem:s20+$0x35A0] =	vst v10;
	s20 =	smov.u32 s23  }
0xd8: {  	v8 =	vld [tilespmem:s20+$0x40];
	_ =	sdelay $0x4  }
0xd9: {  	[tilespmem:$0x1FE90] =	vst v8;
	v8 =	vld [tilespmem:s20+$0x50];
	_ =	sdelay $0x4  }
0xda: {  	[tilespmem:$0x1FEA0] =	vst v8;
	v8 =	vld [tilespmem:s20+$0x60];
	_ =	sdelay $0x4  }
0xdb: {  	[tilespmem:$0x1FEB0] =	vst v8;
	v8 =	vld [tilespmem:s20+$0x70];
	_ =	sdelay $0x4  }
0xdc: {  	[tilespmem:$0x1FEC0] =	vst v8;
	v8 =	vld [tilespmem:s20+$0x90];
	_ =	sdelay $0x4  }
0xdd: {  	[tilespmem:$0x1FED0] =	vst v8;
	v8 =	vld [tilespmem:s20+$0xB0];
	_ =	sdelay $0x4  }
0xde: {  	[tilespmem:$0x1FEE0] =	vst v8;
	v8 =	vld [tilespmem:s20+$0xC0];
	_ =	sdelay $0x4  }
0xdf: {  	[tilespmem:$0x1FEF0] =	vst v8;
	v8 =	vld [tilespmem:s20+$0xD0];
	_ =	sdelay $0x4  }
0xe0: {  	[tilespmem:$0x1FF00] =	vst v8;
	v8 =	vld [tilespmem:s20+$0xE0];
	_ =	sdelay $0x4  }
0xe1: {  	[tilespmem:$0x1FF10] =	vst v8;
	v8 =	vld [tilespmem:s20+$0xF0];
	_ =	sdelay $0x4  }
0xe2: {  	[tilespmem:$0x1FF20] =	vst v8;
	v8 =	vld [tilespmem:s20+$0x100];
	_ =	sdelay $0x4  }
0xe3: {  	[tilespmem:$0x1FF30] =	vst v8;
	v8 =	vld [tilespmem:s20+$0x110];
	_ =	sdelay $0x4  }
0xe4: {  	[tilespmem:$0x1FF40] =	vst v8;
	v8 =	vld [tilespmem:s20+$0x120];
	_ =	sdelay $0x4  }
0xe5: {  	[tilespmem:$0x1FF50] =	vst v8;
	v8 =	vld [tilespmem:s20+$0x130];
	_ =	sdelay $0x4  }
0xe6: {  	[tilespmem:$0x1FF60] =	vst v8;
	v8 =	vld [tilespmem:s20+$0x140];
	_ =	sdelay $0x4  }
0xe7: {  	[tilespmem:$0x1FF70] =	vst v8;
	v8 =	vld [tilespmem:s20+$0x150]  }
0xe8: {  	v41 =	vld [tilespmem:s20+$0xFFFFFF60]  }
0xe9: {  	v37 =	vld [tilespmem:s20+$0xFFFFFF70]  }
0xea: {  	v44 =	vld [tilespmem:s20+$0xFFFFFF80]  }
0xeb: {  	v36 =	vld [tilespmem:s20+$0xFFFFFF90]  }
0xec: {  	[tilespmem:$0x1FF80] =	vst v8;
	v8 =	vld [tilespmem:s20+$0x160]  }
0xed: {  	v45 =	vld [tilespmem:s20+$0xFFFFFFA0]  }
0xee: {  	v34 =	vld [tilespmem:s20+$0xFFFFFFB0]  }
0xef: {  	v32 =	vld [tilespmem:s20+$0xFFFFFFC0]  }
0xf0: {  	v31 =	vld [tilespmem:s20+$0xFFFFFFD0]  }
0xf1: {  	[tilespmem:$0x1FF90] =	vst v8;
	v8 =	vld [tilespmem:s20+$0x170]  }
0xf2: {  	v30 =	vld [tilespmem:s20+$0xFFFFFFE0]  }
0xf3: {  	v29 =	vld [tilespmem:s20+$0xFFFFFFF0]  }
0xf4: {  	v33 =	vld [tilespmem:s20+$0x0]  }
0xf5: {  	v28 =	vld [tilespmem:s20+$0x10]  }
0xf6: {  	[tilespmem:$0x1FFA0] =	vst v8;
	v8 =	vld [tilespmem:s20+$0x180]  }
0xf7: {  	v35 =	vld [tilespmem:s20+$0x20]  }
0xf8: {  	v23 =	vld [tilespmem:s20+$0x30]  }
0xf9: {  	v24 =	vld [tilespmem:s20+$0x80]  }
0xfa: {  	v27 =	vld [tilespmem:s20+$0xA0]  }
0xfb: {  	[tilespmem:$0x1FFB0] =	vst v8;
	v8 =	vld [tilespmem:s20+$0x190]  }
0xfc: {  	v25 =	vld [tilespmem:s20+$0x3520]  }
0xfd: {  	v26 =	vld [tilespmem:s20+$0x3500]  }
0xfe: {  	v38 =	vld [tilespmem:s20+$0x34A0]  }
0xff: {  	v39 =	vld [tilespmem:s20+$0x3480]  }
0x100: {  	[tilespmem:$0x1FFC0] =	vst v8;
	v8 =	vld [tilespmem:s20+$0x1A0]  }
0x101: {  	v55 =	vld [tilespmem:s20+$0x3420]  }
0x102: {  	v56 =	vld [tilespmem:s20+$0x3400]  }
0x103: {  	v9 =	vld [tilespmem:s20+$0x3380]  }
0x104: {  	v11 =	vld [tilespmem:s20+$0x3320]  }
0x105: {  	[tilespmem:$0x1FFD0] =	vst v8;
	v8 =	vld [tilespmem:s20+$0x35A0]  }
0x106: {  	v12 =	vld [tilespmem:s20+$0x3300]  }
0x107: {  	v13 =	vld [tilespmem:s20+$0x32A0]  }
0x108: {  	v14 =	vld [tilespmem:s20+$0x3280]  }
0x109: {  	v15 =	vld [tilespmem:s20+$0x3220]  }
0x10a: {  	p0 =	sne.s32 s22, $0xCFC0;
	[tilespmem:$0x1FFE0] =	vst v8;
	v8 =	vld [tilespmem:s20+$0x3580]  }
.Ltmp0:
0x10b: {  	v16 =	vld [tilespmem:s20+$0x3200];
	(pc) =	sbr.rel @p0 .LBB2_3-.Ltmp0, $4  }
0x10c: {  	v17 =	vld [tilespmem:s20+$0x31E0]  }
0x10d: {  	v18 =	vld [tilespmem:s20+$0x31C0]  }
0x10e: {  	v19 =	vld [tilespmem:s20+$0x31B0]  }
0x10f: {  	s22 =	sadd.s32 $0x1000, s22;
	s21 =	sadd.s32 $0x10, s21;
	[tilespmem:$0x1FFF0] =	vst v8;
	v8 =	vld [tilespmem:s20+$0x33A0]  }
0x110: {  	v22 =	vld [tilespmem:s20+$0x3210];
	_ =	sdelay $0x2  }
0x111: {  	v10 =	vld [tilespmem:s21+$0x0]  }
0x112: {  	v20 =	vld [tilespmem:s20+$0x31D0]  }
0x113: {  	[tilespmem:$0x1FE50] =	vst v22;
	v22 =	vld [tilespmem:s20+$0x3260]  }
0x114: {  	v21 =	vld [tilespmem:s20+$0x31F0]  }
0x115: {  	v7 =	vadd.f32 v7, v15;
	v15 =	vld [tilespmem:s20+$0x3310]  }
0x116: {  	v11 =	vadd.f32 v53, v11;
	v53 =	vld [tilespmem:s20+$0x3550]  }
0x117: {  	v9 =	vadd.f32 v44, v9;
	v44 =	vld [tilespmem:$0x1FF30]  }
0x118: {  	v3 =	vadd.f32 v3, v18;
	v1 =	vadd.f32 v1, v19;
	v19 =	vbroadcast v10, $0x0;
	[tilespmem:$0x1FE80] =	vst v22;
	v22 =	vld [tilespmem:s20+$0x3240]  }
0x119: {  	v18 =	vld [tilespmem:s20+$0x3250]  }
0x11a: {  	v4 =	vadd.f32 v4, v20;
	v2 =	vadd.f32 v2, v21;
	v21 =	vld [tilespmem:$0x1FE50];
	v20 =	vmul.f32 v3, v19  }
0x11b: {  	v8 =	vadd.f32 v45, v8;
	v45 =	vld [tilespmem:$0x1FF40]  }
0x11c: {  	v5 =	vadd.f32 v5, v17;
	v15 =	vadd.f32 v46, v15;
	v46 =	vld [tilespmem:s20+$0x34B0];
	[tilespmem:s20+$0x31C0] =	vst v20  }
0x11d: {  	v20 =	vbroadcast v10, $0x1;
	[tilespmem:$0x1FE70] =	vst v22;
	v22 =	vld [tilespmem:s20+$0x3230]  }
0x11e: {  	v3 =	vld [tilespmem:s20+$0x3290];
	v5 =	vmul.f32 v5, v19  }
0x11f: {  	v2 =	vmul.f32 v2, v20;
	v0 =	vadd.f32 v0, v21;
	v21 =	vld [tilespmem:$0x1FE70]  }
0x120: {  	v6 =	vadd.f32 v6, v16;
	v17 =	vmul.f32 v4, v19;
	v4 =	vld [tilespmem:s20+$0x32E0];
	[tilespmem:s20+$0x31E0] =	vst v5  }
0x121: {  	v1 =	vmul.f32 v1, v19;
	v5 =	vld [tilespmem:s20+$0x32B0];
	[tilespmem:s20+$0x31F0] =	vst v2  }
0x122: {  	v19 =	vmul.f32 v6, v20;
	v2 =	vld [tilespmem:s20+$0x32F0];
	[tilespmem:$0x1FE60] =	vst v22  }
0x123: {  	[tilespmem:s20+$0x31B0] =	vst v1;
	v1 =	vmul.f32 v7, v20;
	v0 =	vmul.f32 v0, v20;
	v20 =	vld [tilespmem:$0x1FE60]  }
0x124: {  	v16 =	vadd.f32 v60, v21;
	v21 =	vld [tilespmem:$0x1FE80]  }
0x125: {  	[tilespmem:s20+$0x31D0] =	vst v17;
	v22 =	vld [tilespmem:s20+$0x3270]  }
0x126: {  	v17 =	vld [tilespmem:s20+$0x32C0];
	[tilespmem:s20+$0x3210] =	vst v0;
	v0 =	vbroadcast v10, $0x2  }
0x127: {  	v18 =	vadd.f32 v59, v18;
	v6 =	vld [tilespmem:s20+$0x32D0];
	v4 =	vadd.f32 v48, v4  }
0x128: {  	v48 =	vld [tilespmem:s20+$0x34F0];
	[tilespmem:s20+$0x3200] =	vst v19;
	v5 =	vadd.f32 v51, v5;
	v7 =	vadd.f32 v61, v20;
	v61 =	vmul.f32 v16, v0  }
0x129: {  	[tilespmem:s20+$0x3220] =	vst v1;
	v2 =	vadd.f32 v47, v2;
	v47 =	vld [tilespmem:s20+$0x34D0];
	v19 =	vadd.f32 v58, v21;
	v58 =	vmul.f32 v18, v0  }
0x12a: {  	v59 =	vadd.f32 v57, v22;
	v57 =	vld [tilespmem:s20+$0x3410];
	v21 =	vbroadcast v10, $0x4;
	v60 =	vmul.f32 v7, v0;
	[tilespmem:s20+$0x3240] =	vst v61  }
0x12b: {  	v17 =	vadd.f32 v50, v17;
	v16 =	vld [tilespmem:s20+$0x3340];
	v0 =	vmul.f32 v19, v0;
	[tilespmem:s20+$0x3250] =	vst v58  }
0x12c: {  	v6 =	vadd.f32 v49, v6;
	v18 =	vld [tilespmem:s20+$0x3330];
	v22 =	vmul.f32 v5, v21;
	[tilespmem:s20+$0x3230] =	vst v60  }
0x12d: {  	v3 =	vadd.f32 v54, v3;
	v54 =	vbroadcast v10, $0x5;
	v20 =	vld [tilespmem:s20+$0x3370];
	v50 =	vmul.f32 v17, v21;
	[tilespmem:s20+$0x3260] =	vst v0  }
0x12e: {  	v7 =	vld [tilespmem:s20+$0x3360];
	v51 =	vmul.f32 v6, v21;
	[tilespmem:s20+$0x32B0] =	vst v22  }
0x12f: {  	v19 =	vld [tilespmem:s20+$0x3350];
	v58 =	vmul.f32 v2, v54;
	v60 =	vbroadcast v10, $0x3;
	[tilespmem:s20+$0x32C0] =	vst v50  }
0x130: {  	v14 =	vadd.f32 v62, v14;
	v5 =	vld [tilespmem:s20+$0x33B0];
	v0 =	vmul.f32 v4, v21;
	[tilespmem:s20+$0x32D0] =	vst v51  }
0x131: {  	v17 =	vld [tilespmem:s20+$0x33D0];
	[tilespmem:s20+$0x32F0] =	vst v58;
	v61 =	vmul.f32 v59, v60  }
0x132: {  	v13 =	vadd.f32 v63, v13;
	v6 =	vld [tilespmem:s20+$0x33F0];
	v62 =	vmul.f32 v14, v60;
	[tilespmem:s20+$0x32E0] =	vst v0  }
0x133: {  	v12 =	vadd.f32 v52, v12;
	v2 =	vld [tilespmem:s20+$0x3460];
	v63 =	vmul.f32 v3, v60;
	[tilespmem:s20+$0x3270] =	vst v61  }
0x134: {  	v52 =	vbroadcast v10, $0x9;
	v50 =	vld [tilespmem:s20+$0x3510];
	v1 =	vmul.f32 v13, v60;
	[tilespmem:s20+$0x3280] =	vst v62  }
0x135: {  	v51 =	vld [tilespmem:s20+$0x3530];
	v4 =	vadd.f32 v28, v57;
	v16 =	vadd.f32 v42, v16;
	v59 =	vmul.f32 v12, v54;
	[tilespmem:s20+$0x3290] =	vst v63  }
0x136: {  	v28 =	vld [tilespmem:$0x1FEB0];
	v20 =	vadd.f32 v37, v20;
	v42 =	vbroadcast v10, $0x7;
	v60 =	vmul.f32 v15, v54;
	[tilespmem:s20+$0x32A0] =	vst v1  }
0x137: {  	v37 =	vld [tilespmem:$0x1FEE0];
	v58 =	vmul.f32 v4, v52;
	[tilespmem:s20+$0x3300] =	vst v59  }
0x138: {  	v14 =	vld [tilespmem:s20+$0x3390];
	v20 =	vmul.f32 v20, v42;
	[tilespmem:s20+$0x3310] =	vst v60  }
0x139: {  	v49 =	vbroadcast v10, $0x8;
	v3 =	vld [tilespmem:s20+$0x33E0];
	v9 =	vmul.f32 v9, v42;
	v5 =	vadd.f32 v34, v5;
	[tilespmem:s20+$0x3410] =	vst v58  }
0x13a: {  	v13 =	vld [tilespmem:s20+$0x33C0];
	v17 =	vadd.f32 v31, v17;
	v1 =	vmul.f32 v11, v54;
	[tilespmem:s20+$0x3370] =	vst v20  }
0x13b: {  	v12 =	vld [tilespmem:s20+$0x3440];
	v19 =	vadd.f32 v40, v19;
	v6 =	vadd.f32 v29, v6;
	[tilespmem:s20+$0x3380] =	vst v9;
	v5 =	vmul.f32 v5, v49  }
0x13c: {  	v40 =	vld [tilespmem:s20+$0x3490];
	v62 =	vadd.f32 v43, v18;
	v63 =	vbroadcast v10, $0x6;
	v17 =	vmul.f32 v17, v49;
	[tilespmem:s20+$0x3320] =	vst v1  }
0x13d: {  	v34 =	vld [tilespmem:$0x1FED0];
	v54 =	vadd.f32 v33, v56;
	v56 =	vmul.f32 v6, v52;
	[tilespmem:s20+$0x33B0] =	vst v5  }
0x13e: {  	v61 =	vld [tilespmem:s20+$0x3430];
	v21 =	vmul.f32 v62, v63;
	[tilespmem:s20+$0x33D0] =	vst v17  }
0x13f: {  	v7 =	vadd.f32 v41, v7;
	v18 =	vld [tilespmem:s20+$0x3450];
	v22 =	vmul.f32 v16, v63;
	[tilespmem:s20+$0x33F0] =	vst v56  }
0x140: {  	v11 =	vld [tilespmem:s20+$0x3470];
	v41 =	vmul.f32 v19, v63;
	[tilespmem:s20+$0x3330] =	vst v21  }
0x141: {  	v57 =	vadd.f32 v35, v55;
	v43 =	vld [tilespmem:s20+$0x34C0];
	v60 =	vbroadcast v10, $0xA;
	v0 =	vmul.f32 v7, v63;
	[tilespmem:s20+$0x3340] =	vst v22  }
0x142: {  	v33 =	vadd.f32 v24, v39;
	v39 =	vld [tilespmem:$0x1FEF0];
	v2 =	vadd.f32 v28, v2;
	v7 =	vmul.f32 v8, v42;
	[tilespmem:s20+$0x3350] =	vst v41  }
0x143: {  	v31 =	vbroadcast v10, $0xB;
	v58 =	vld [tilespmem:$0x1FFB0];
	v8 =	vmul.f32 v57, v52;
	[tilespmem:s20+$0x3360] =	vst v0  }
0x144: {  	v6 =	vld [tilespmem:s20+$0x3570];
	v2 =	vmul.f32 v2, v60;
	[tilespmem:s20+$0x33A0] =	vst v7  }
0x145: {  	v19 =	vld [tilespmem:s20+$0x34E0];
	v14 =	vadd.f32 v36, v14;
	v36 =	vmul.f32 v33, v31;
	[tilespmem:s20+$0x3420] =	vst v8  }
0x146: {  	v62 =	vld [tilespmem:$0x1FE90];
	v13 =	vadd.f32 v32, v13;
	v21 =	vmul.f32 v54, v52;
	[tilespmem:s20+$0x3460] =	vst v2  }
0x147: {  	v63 =	vld [tilespmem:$0x1FEA0];
	v3 =	vadd.f32 v30, v3;
	v14 =	vmul.f32 v14, v42;
	[tilespmem:s20+$0x3480] =	vst v36  }
0x148: {  	v35 =	vadd.f32 v27, v38;
	v5 =	vld [tilespmem:s20+$0x3540];
	v4 =	vadd.f32 v34, v40;
	v13 =	vmul.f32 v13, v49;
	[tilespmem:s20+$0x3400] =	vst v21  }
0x149: {  	v38 =	vbroadcast v10, $0xC;
	v30 =	vld [tilespmem:$0x1FEC0];
	v0 =	vadd.f32 v37, v46;
	v3 =	vmul.f32 v3, v49;
	[tilespmem:s20+$0x3390] =	vst v14  }
0x14a: {  	v40 =	vld [tilespmem:$0x1FF00];
	v59 =	vadd.f32 v23, v61;
	v4 =	vmul.f32 v4, v31;
	[tilespmem:s20+$0x33C0] =	vst v13  }
0x14b: {  	v7 =	vld [tilespmem:s20+$0x3560];
	v0 =	vmul.f32 v0, v38;
	[tilespmem:s20+$0x33E0] =	vst v3  }
0x14c: {  	v41 =	vld [tilespmem:$0x1FF10];
	v1 =	vadd.f32 v39, v43;
	v22 =	vmul.f32 v59, v60;
	[tilespmem:s20+$0x3490] =	vst v4  }
0x14d: {  	v42 =	vld [tilespmem:$0x1FF20];
	v12 =	vadd.f32 v62, v12;
	v3 =	vmul.f32 v35, v31;
	[tilespmem:s20+$0x34B0] =	vst v0  }
0x14e: {  	v49 =	vld [tilespmem:$0x1FF60];
	v18 =	vadd.f32 v63, v18;
	v1 =	vmul.f32 v1, v38;
	[tilespmem:s20+$0x3430] =	vst v22  }
0x14f: {  	v8 =	vadd.f32 v30, v11;
	v29 =	vmul.f32 v12, v60;
	v2 =	vadd.f32 v40, v47;
	[tilespmem:s20+$0x34A0] =	vst v3;
	v47 =	vld [tilespmem:$0x1FF50]  }
0x150: {  	v9 =	vadd.f32 v44, v26;
	v52 =	vld [tilespmem:$0x1FF80];
	v43 =	vbroadcast v10, $0xD;
	v32 =	vmul.f32 v18, v60;
	[tilespmem:s20+$0x34C0] =	vst v1  }
0x151: {  	v61 =	vld [tilespmem:s20+$0x3590];
	v8 =	vmul.f32 v8, v31;
	[tilespmem:s20+$0x3440] =	vst v29  }
0x152: {  	v4 =	vadd.f32 v41, v19;
	v60 =	vld [tilespmem:$0x1FFC0];
	v3 =	vadd.f32 v42, v48;
	v48 =	vmul.f32 v9, v43;
	[tilespmem:s20+$0x3450] =	vst v32  }
0x153: {  	v1 =	vadd.f32 v45, v50;
	v2 =	vmul.f32 v2, v38;
	[tilespmem:s20+$0x3470] =	vst v8;
	v8 =	vadd.f32 v49, v51;
	v51 =	vld [tilespmem:$0x1FF70]  }
0x154: {  	v54 =	vld [tilespmem:$0x1FF90];
	v4 =	vmul.f32 v4, v38;
	v46 =	vmul.f32 v3, v43;
	[tilespmem:s20+$0x3500] =	vst v48;
	v3 =	vadd.f32 v47, v25  }
0x155: {  	v56 =	vld [tilespmem:$0x1FFA0];
	v1 =	vmul.f32 v1, v43;
	[tilespmem:s20+$0x34D0] =	vst v2  }
0x156: {  	v59 =	vld [tilespmem:$0x1FFF0];
	v50 =	vbroadcast v10, $0xE;
	[tilespmem:s20+$0x34E0] =	vst v4;
	v0 =	vmul.f32 v3, v43  }
0x157: {  	v62 =	vld [tilespmem:$0x1FFE0];
	v4 =	vadd.f32 v52, v53;
	[tilespmem:s20+$0x3510] =	vst v1  }
0x158: {  	v53 =	vmul.f32 v8, v50;
	v3 =	vadd.f32 v51, v5;
	[tilespmem:s20+$0x3520] =	vst v0;
	v0 =	vadd.f32 v60, v61;
	v61 =	vld [tilespmem:$0x1FFD0]  }
0x159: {  	[tilespmem:s20+$0x34F0] =	vst v46;
	v4 =	vmul.f32 v4, v50;
	v5 =	vadd.f32 v54, v7  }
0x15a: {  	v57 =	vbroadcast v10, $0xF;
	[tilespmem:s20+$0x3530] =	vst v53;
	v55 =	vmul.f32 v3, v50  }
0x15b: {  	[tilespmem:s20+$0x3550] =	vst v4;
	v3 =	vadd.f32 v56, v6;
	v2 =	vmul.f32 v5, v50  }
0x15c: {  	v6 =	vadd.f32 v58, v59;
	v0 =	vmul.f32 v0, v57;
	[tilespmem:s20+$0x3540] =	vst v55  }
0x15d: {  	v3 =	vmul.f32 v3, v57;
	[tilespmem:s20+$0x3560] =	vst v2;
	v4 =	vadd.f32 v61, v62  }
0x15e: {  	v63 =	vmul.f32 v6, v57;
	[tilespmem:s20+$0x3590] =	vst v0  }
0x15f: {  	s19 =	smul.u32 $0x648, s19;
	s18 =	sadd.s32 $0x1, s18;
	[tilespmem:s20+$0x3570] =	vst v3;
	v1 =	vmul.f32 v4, v57  }
0x160: {  	p0 =	sne.s32 s18, $0x80;
	[tilespmem:s20+$0x3580] =	vst v63  }
.Ltmp1:
0x161: {  	s19 =	sadd.s32 s1, s19;
	[tilespmem:s20+$0x35A0] =	vst v1;
	(pc) =	sbr.rel @p0 .LBB2_2-.Ltmp1, $4  }
0x162: {  	[hbm4b:s19+s2] =	stream.linear.scatter [tilespmem:s13], [sflag:$0x2], $0x3240, $0x38;
	[tilespmem:$0x69A0] =	vst v63  }
0x163: {  	_ =	swait.ge [sflag:s11], $0x3240  }
0x164: {  	[sflag:s11] =	ssyncset.done $0x0  }
0x165: {  	[sflag:s11] =	ssyncadd.s32 $0xFFFFCDC0  }
0x166: {  	s17 =	sadd.s32 $0x1, s17  }
0x167: {  	p0 =	sne.s32 s17, s9  }
.Ltmp2:
0x168: {  	_ = 	snop;
	(pc) =	sbr.rel @p0 .LBB2_1-.Ltmp2, $1  }
0x169: {  	_ =	sdelay $0x3  }
0x16a: {  	_ =	sfence.sel $0x180000  }
0x16b: {  	[bflag:$0x0] =	sbarrier.arrive $0xFFFF  }
0x16c: {  	p0 =	sne.s32 s3, $0x0;
	_ =	strace $0x90000047  }
0x16d: {  	s0 =	sadd.s32 @!p0 $0x100000, s0;
	[bflag:$0x2] =	sbarrier.arrive $0xFFFF  }
0x16e: {  	[sflag:s0] =	ssyncadd.tile.s32 @!p0 $0x1;
	_ =	shalt  }
.Lfunc_end2:
_tile_overlayer_lowered:
.L_overlay_start_2:
0x16f: {  	(tag) =	ssettag $0x2  }
0x170: {  	s0 =	rddreg [dreg:$0x0];
	s2 =	stileid.u32  }
0x171: {  	s1 =	rddreg [dreg:$0x1];
	p0 =	sne.s32 s2, $0x0  }
0x172: {  	s3 =	rddreg [dreg:$0x2];
	[bflag:$0x3] =	sbarrier.arrive $0xFFFF;
	s2 =	simm.s32 @!p0 $0x1C02  }
0x173: {  	[timem:s3], [sflag:s2] =	dma.local @!p0 [hbm:s0], s1  }
0x174: {  	s0 =	simm.s32 @!p0 $0x2  }
0x175: {  	_ =	swait.ge @!p0 [sflag:s0], s1  }
0x176: {  	s1 =	ssub.s32 @!p0 $0x0, s1;
	[sflag:s0] =	ssyncset.done @!p0 $0x0  }
0x177: {  	[sflag:s0] =	ssyncadd.s32 @!p0 s1  }
0x178: {  	[bflag:$0x3] =	sbarrier.arrive $0xFFFF  }
0x179: {  	_ =	shalt  }

// kernel: sparse-core-data-format-call.cloned.1.call-start
scs
called_computation_lowered:
.L_overlay_start_0:
0x0: {  	s2 =	sld [smem:$0x3FD9]  }
0x1: {  	s3 =	sld [smem:$0x3FFE];
	_ =	sdelay $0x1  }
0x2: {  	s1 =	srdreg.scid  }
0x3: {  	s0 =	sand.u32 $0x1, s1  }
0x4: {  	s18 =	sshll.u32 s0, $0xA;
	s2 =	sadd.s32 s3, s2  }
0x5: {  	s2 =	sadd.s32 s2, s18  }
0x6: {  	[smem:$0x3FC3] =	sst s2  }
0x7: {  	_ = 	snop  }
0x8: {  	s2 =	sld [smem:$0x3FD0];
	(tm) =	ssettm $0x1  }
0x9: {  	s19 =	sld [smem:$0x3FFB];
	_ =	sdelay $0x3  }
0xa: {  	_ =	strace s19  }
0xb: {  	s3 =	sld [smem:$0x3FFC];
	_ =	sdelay $0x3  }
0xc: {  	_ =	strace s3  }
0xd: {  	s3 =	sld [smem:$0x3FFD];
	_ =	sdelay $0x3  }
0xe: {  	_ =	strace s3  }
0xf: {  	_ =	strace $0x8FFFFFFF  }
0x10: {  	s20 =	sld [smem:$0x3FDB];
	_ =	sdelay $0x1  }
0x11: {  	s4 =	simm.s32 $_scs_section_size  }
0x12: {  	s5 =	simm.s32 $_size__tile_overlayer_lowered;
	s6 =	simm.s32 $_tile_overlayer_lowered  }
0x13: {  	s23 =	simm.s32 $0x1BFF;
	s22 =	sshll.u32 s6, $0x1;
	s3 =	sadd.s32 s4, s20  }
0x14: {  	s7 =	simm.s32 $0x0;
	s21 =	sshll.u32 s5, $0x1;
	s5 =	sadd.s32 s22, s3  }
0x15: {  	[timem:s7], [sflag:s23] =	dma.local [hbm:s5], s21  }
0x16: {  	_ =	swait.ge [sflag:s23], s21  }
0x17: {  	s4 =	ssub.s32 $0x0, s21;
	[sflag:s23] =	ssyncset.done $0x0  }
0x18: {  	[sflag:s23] =	ssyncadd.s32 s4;
	_ =	sdelay $0x1  }
0x19: {  	s24 =	simm.s32 $0x1B8B  }
0x1a: {  	_ =	swait.ge [sflag:s24], $0x1  }
0x1b: {  	[sflag:s24] =	ssyncset.done $0x0  }
0x1c: {  	s26 =	simm.s32 $0x1B8E;
	s25 =	sld [smem:$0x3FFE];
	[sflag:s24] =	ssyncadd.s32 $0xFFFFFFFF  }
0x1d: {  	s27 =	simm.s32 $execute0_lowered;
	[smem:$0x3FD2] =	sst s26  }
0x1e: {  	s5 =	sshll.u32 s27, $0x1;
	_ =	strace $0x80000049;
	[dreg:$0x1] =	wrdreg $0xFFFFFFFF  }
0x1f: {  	s28 =	simm.s32 $_size_execute0_lowered;
	s3 =	sadd.s32 s3, s5;
	[dreg:$0x0] =	wrdreg $0x0  }
0x20: {  	s5 =	sshll.u32 s28, $0x1;
	[dreg:$0x2] =	wrdreg s3  }
0x21: {  	[dreg:$0x3] =	wrdreg s5  }
0x22: {  	[dreg:$0x4] =	wrdreg $0xC0  }
0x23: {  	_ =	task [dreg:s7], $0x5FFFF  }
0x24: {  	[dreg:$0x1] =	wrdreg $0xFFFFFFFF  }
0x25: {  	[dreg:$0x0] =	wrdreg $0x60  }
0x26: {  	[dreg:$0x2] =	wrdreg s25  }
0x27: {  	[dreg:$0x3] =	wrdreg s2  }
0x28: {  	[dreg:$0x4] =	wrdreg $0x9  }
0x29: {  	_ =	task.clear_ibuf [dreg:s7], $0x5FFFF;
	_ =	strace $0x90000049  }
0x2a: {  	s29 =	simm.s32 $0x9;
	_ =	strace $0x8000004B  }
0x2b: {  	_ =	swait.ge [sflag:s29], $0x1  }
0x2c: {  	[sflag:s29] =	ssyncadd.s32 $0xFFFFFFFF  }
0x2d: {  	_ =	strace $0x9000004B  }
0x2e: {  	_ =	sfence  }
0x2f: {  	s30 =	sld [smem:$0x0];
	_ =	sdelay $0x2  }
0x30: {  	s31 =	sshll.u32 s1, $0xD;
	s1 =	sshrl.u32 s1, $0x2  }
0x31: {  	s3 =	sand.u32 $0x4000, s31;
	s1 =	sadd.s32 s1, s30  }
0x32: {  	s0 =	sor.u32 s3, s0;
	s1 =	sshll.u32 s1, $0x11  }
0x33: {  	s0 =	sor.u32 s1, s0  }
0x34: {  	s0 =	sadd.s32 $0x8F2B, s0  }
0x35: {  	[sflag:s0] =	ssyncadd.remote.s32 $0x1  }
0x36: {  	_ =	sfence.sel $0xFFFF  }
0x37: {  	[dreg:$0x0] =	wrdreg $0xFFFFFFFF;
	(pc) =	sbr.abs _section_cstart, $3  }
0x38: {  	[dreg:$0x1] =	wrdreg $0xFFFFFFFF  }
0x39: {  	_ =	task.clear_ibuf [dreg:s7], $0x2FFFF;
	_ =	strace $0x9FFFFFFF  }
0x3a: {  	(tm) =	ssettm $0x7FFFFFFF  }
0x3b: {  	_ =	shalt  }
tec
execute0_lowered:
.L_overlay_start_1:
0x0: {  	(tag) =	ssettag $0x1  }
0x1: {  	s0 =	srdreg.scid  }
0x2: {  	s1 =	sshll.u32 s0, $0x4  }
0x3: {  	s0 =	stileid.u32;
	s1 =	sand.u32 $0x10, s1  }
0x4: {  	s1 =	sor.u32 s0, s1  }
0x5: {  	s6 =	rddreg [dreg:$0x0];
	s4 =	simm.s32 $0x1;
	s2 =	sshll.u32 s1, $0x7  }
0x6: {  	s7 =	simm.s32 $0x2;
	s12 =	simm.s32 $0x0;
	s1 =	ssub.s32 $0x1000, s2  }
0x7: {  	s8 =	simm.s32 $0x8000;
	s13 =	simm.s32 $0x0;
	s3 =	sand.u32 $0xF80, s1  }
0x8: {  	s9 =	simm.s32 $0x0;
	s5 =	sshrl.u32 s1, $0xC;
	p0 =	sne.s32 s3, $0x0  }
.Ltmp0:
0x9: {  	s1 =	rddreg [dreg:$0x2];
	s4 =	simm.s32 @!p0 $0x0;
	(pc) =	sbr.rel .LBB1_1-.Ltmp0, $4  }
0xa: {  	s11 =	simm.s32 $0x0;
	s3 =	rddreg [dreg:$0x1];
	s5 =	sadd.s32 s4, s5  }
0xb: {  	_ =	strace $0x8000004A;
	s4 =	simm.s32 $0x1;
	s5 =	smul.u32 $0xC9, s5  }
0xc: {  	s6 =	sadd.s32 $0x1000, s6;
	s10 =	smov.u32 s2;
	[sflag:s4] =	ssyncpa.u1 $0x0  }
0xd: {  	p0 =	por $0x0, $0x0;
	[sflag:s7] =	ssyncpa.u1 $0x0;
	s7 =	sadd.s32 $0x1, s5  }
.LBB1_4:
0xe: {  	s16 =	sshll.u32 s13, $0x3;
	s17 =	sand.u32 $0x78, s13  }
0xf: {  	s30 =	sand.u32 $0x7E00, s13;
	s12 =	sshll.u32 s12, $0xF;
	s16 =	sand.u32 $0xC00, s16  }
0x10: {  	[tilespmem:s15+$0x810 ss:$0x81] =	vst.msk $0xffff, v2;
	s31 =	sand.u32 $0x7, s13;
	s16 =	sor.u32 s17, s16;
	s17 =	sadd.s32 s3, s30  }
0x11: {  	[tilespmem:s15+$0x1020 ss:$0x81] =	vst.msk $0xffff, v0;
	s13 =	sshll.u32 s31, $0x12;
	s12 =	sadd.s32 s12, s17;
	s16 =	sshrl.u32 s16, $0x3  }
0x12: {  	[tilespmem:s15+$0x0 ss:$0x81] =	vst.msk $0xffff, v1;
	s13 =	sor.u32 $0x400, s13;
	s12 =	sadd.s32 s16, s12  }
0x13: {  	[hbm4b:s12+s13] =	stream.strided.scatter [tilespmem:s14], [sflag:$0x2], $0x2000, s8, s13, $0x20;
	[tilespmem:$0x8080] =	vst v63  }
.LBB1_5:
0x14: {  	s14 =	sadd.s32 $0x1, s9  }
0x15: {  	s12 =	sadd.s32 $0x1000, s10;
	s16 =	smov.u32 s10;
	p2 =	sgt.s32 s14, $0xC8  }
0x16: {  	s16 =	smov.u32 @p2 s12  }
0x17: {  	s14 =	simm.s32 @p2 $0x0;
	p2 =	sgt.s32 s16, $0xFFF  }
0x18: {  	s16 =	smov.u32 @p2 s2;
	p2 =	sne.s32 s11, s7  }
.Ltmp1:
0x19: {  	p1 =	slt.u32 s11, $0x2;
	(pc) =	sbr.rel @!p2 .LBB1_6-.Ltmp1, $4  }
0x1a: {  	s15 =	simm.s32 @!p1 $0x2  }
0x1b: {  	s13 =	smov.u32 s10;
	p0 =	por !p0, !p0;
	_ =	swait.ge @!p1 [sflag:s15], $0x2000  }
0x1c: {  	s12 =	smov.u32 s9;
	[sflag:s15] =	ssyncset.done @!p1 $0x0;
	s9 =	smov.u32 s14  }
0x1d: {  	s11 =	sadd.s32 $0x1, s11;
	[sflag:s15] =	ssyncadd.s32 @!p1 $0xFFFFE000;
	s10 =	smov.u32 s16  }
.LBB1_1:
0x1e: {  	p1 =	sge.u32 s11, s5  }
0x1f: {  	s14 =	sand.u32 @!p1 $0x1FFFFFF, s9  }
0x20: {  	s15 =	smulhi.u32 @!p1 $0x2762763, s14;
	_ =	sdelay $0x1  }
0x21: {  	s15 =	sshrl.u32 @!p1 s15, $0x1  }
0x22: {  	s15 =	smul.u32 @!p1 $0xD0, s15  }
0x23: {  	s16 =	sxor.u32 @!p1 $0xFFFFFFFF, s11;
	s17 =	smul.u32 @!p1 $0xD00, s10  }
0x24: {  	s31 =	sadd.s32 $0xFFFFFFFF, s11;
	s16 =	sshll.u32 @!p1 s16, $0xD;
	s14 =	ssub.s32 @!p1 s14, s15  }
0x25: {  	s15 =	sand.u32 @!p1 $0x2000, s16;
	s16 =	sadd.s32 @!p1 s6, s17;
	s14 =	sshll.u32 @!p1 s14, $0x4  }
0x26: {  	s17 =	simm.s32 @!p1 $0x6800;
	s14 =	sadd.s32 @!p1 s14, s16;
	s16 =	simm.s32 @!p1 $0x40  }
0x27: {  	[tilespmem:s15], [sflag:$0x1] =	stream.strided.gather @!p1 [hbm4b:s14+s16], $0x2000, s17, s16, $0x38;
	[tilespmem:$0x8080] =	vst v63  }
0x28: {  	p1 =	sge.u32 s31, s5  }
.Ltmp2:
0x29: {  	_ = 	snop;
	(pc) =	sbr.rel @p1 .LBB1_5-.Ltmp2, $1  }
0x2a: {  	_ =	sdelay $0x3  }
0x2b: {  	s14 =	simm.s32 $0x1  }
0x2c: {  	_ =	swait.ge [sflag:s4], $0x2000;
	s14 =	simm.s32 @!p0 $0x0  }
0x2d: {  	[sflag:s4] =	ssyncset.done $0x0;
	s15 =	sshll.u32 s14, $0xD  }
0x2e: {  	[sflag:s4] =	ssyncadd.s32 $0xFFFFE000;
	s18 =	sor.u32 $0x20, s15  }
0x2f: {  	s14 =	smul.u32 $0x8100, s14;
	v3 =	vld [tilespmem:s18+$0x10]  }
0x30: {  	s30 =	sand.u32 $0x1, s11;
	v2 =	vld [tilespmem:s18+$0xFFFFFFF0]  }
0x31: {  	s15 =	smul.u32 $0x8100, s30;
	s14 =	sshrl.u32 s14, $0x2;
	v0 =	vld [tilespmem:s18+$0x0]  }
0x32: {  	v1 =	vld [tilespmem:s18+$0xFFFFFFE0];
	s16 =	sor.u32 $0x4000, s14  }
0x33: {  	s31 =	sshrl.u32 s15, $0x2;
	s15 =	sadd.s32 $0x0, s16  }
0x34: {  	s17 =	simm.s32 $0x4;
	s18 =	sadd.s32 $0x40, s18;
	s14 =	sor.u32 $0x4000, s31;
	[tilespmem:s15+$0x1830 ss:$0x81] =	vst.msk $0xffff, v3  }
.LBB1_3:
0x35: {  	v3 =	vld [tilespmem:s18+$0x10];
	p1 =	sne.s32 s17, $0x1FC;
	[tilespmem:s15+$0x810 ss:$0x81] =	vst.msk $0xffff, v2;
	s19 =	smov.u32 s17;
	s17 =	sadd.s32 $0x4, s17  }
.Ltmp3:
0x36: {  	v2 =	vld [tilespmem:s18+$0xFFFFFFF0];
	[tilespmem:s15+$0x1020 ss:$0x81] =	vst.msk $0xffff, v0;
	(pc) =	sbr.rel @p1 .LBB1_3-.Ltmp3, $4  }
0x37: {  	v0 =	vld [tilespmem:s18+$0x0];
	[tilespmem:s15+$0x0 ss:$0x81] =	vst.msk $0xffff, v1  }
0x38: {  	s15 =	sshra.s32 s19, $0x2;
	v1 =	vld [tilespmem:s18+$0xFFFFFFE0]  }
0x39: {  	s15 =	sadd.s32 s15, s16  }
0x3a: {  	s18 =	sadd.s32 $0x40, s18;
	[tilespmem:s15+$0x1830 ss:$0x81] =	vst.msk $0xffff, v3  }
.Ltmp4:
0x3b: {  	_ = 	snop;
	(pc) =	sbr.rel .LBB1_4-.Ltmp4, $1  }
0x3c: {  	_ =	sdelay $0x3  }
.LBB1_6:
0x3d: {  	_ =	sfence.sel $0x180000  }
0x3e: {  	s2 =	simm.s32 $0x1;
	[bflag:$0x0] =	sbarrier.arrive $0xFFFF  }
0x3f: {  	s31 =	simm.s32 $0x2;
	[sflag:s2] =	ssyncpa.u1 $0x1  }
0x40: {  	[sflag:s31] =	ssyncpa.u1 $0x1  }
0x41: {  	p0 =	sne.s32 s0, $0x0;
	_ =	strace $0x9000004A  }
0x42: {  	s0 =	sadd.s32 @!p0 $0x100000, s1;
	[bflag:$0x2] =	sbarrier.arrive $0xFFFF  }
0x43: {  	[sflag:s0] =	ssyncadd.tile.s32 @!p0 $0x1;
	_ =	shalt  }
.Lfunc_end1:
_tile_overlayer_lowered:
.L_overlay_start_2:
0x44: {  	(tag) =	ssettag $0x2  }
0x45: {  	s0 =	rddreg [dreg:$0x0];
	s2 =	stileid.u32  }
0x46: {  	s1 =	rddreg [dreg:$0x1];
	p0 =	sne.s32 s2, $0x0  }
0x47: {  	s3 =	rddreg [dreg:$0x2];
	[bflag:$0x3] =	sbarrier.arrive $0xFFFF;
	s2 =	simm.s32 @!p0 $0x1C01  }
0x48: {  	[timem:s3], [sflag:s2] =	dma.local @!p0 [hbm:s0], s1  }
0x49: {  	s0 =	simm.s32 @!p0 $0x1  }
0x4a: {  	_ =	swait.ge @!p0 [sflag:s0], s1  }
0x4b: {  	s1 =	ssub.s32 @!p0 $0x0, s1;
	[sflag:s0] =	ssyncset.done @!p0 $0x0  }
0x4c: {  	[sflag:s0] =	ssyncadd.s32 @!p0 s1  }
0x4d: {  	[bflag:$0x3] =	sbarrier.arrive $0xFFFF  }
0x4e: {  	_ =	shalt  }

</sc_bundles>
